<compile_context>
chip_gen: v7x
topology: tpu7x:2x2x1
jax: 0.10.2.dev20260603
libtpu: 0.0.44.dev20260713+nightly
codegen_flags: <defaults>
</compile_context>

<pallas_src>
import functools

import jax
import jax.numpy as jnp
from jax import lax
from jax.experimental import pallas as pl
from jax.experimental.pallas import tpu as pltpu
from jax.experimental.pallas import tpu_sc as plsc

N_NODES = 10000
N_EDGES = 320000
D_IN = 128
D_HID = 128
D_PAD = D_IN + 16

NC = 2
NS = 16
NW = NC * NS
E_PER_TILE = N_EDGES // NW
K = 80
BLK = 2000
NBLK = E_PER_TILE // BLK
BCH = BLK // K
N_PAD = 10240
ROWS_PER_TILE = N_PAD // NS
ZROWS = K


def _sc_aggregate(x_pad, ei_flat):
    mesh = plsc.VectorSubcoreMesh(core_axis_name="c", subcore_axis_name="s")

    @functools.partial(
        pl.kernel,
        out_type=jax.ShapeDtypeStruct((NC, N_PAD, D_PAD), jnp.float32),
        mesh=mesh,
        compiler_params=pltpu.CompilerParams(use_tc_tiling_on_sc=False),
        scratch_types=[
            [pltpu.VMEM((BLK,), jnp.int32) for _ in range(2)],
            [pltpu.VMEM((BLK,), jnp.int32) for _ in range(2)],
            [pltpu.VMEM((K, D_PAD), jnp.float32) for _ in range(2)],
            pltpu.VMEM_SHARED((N_PAD, D_PAD), jnp.float32),
            [pltpu.SemaphoreType.DMA for _ in range(2)],
            [pltpu.SemaphoreType.DMA for _ in range(2)],
            [pltpu.SemaphoreType.DMA for _ in range(2)],
        ],
    )
    def k(x_hbm, ei_hbm, part_hbm, srcb, dstb, rows, acc_s, gsem, ssem, isem):
        c = lax.axis_index("c")
        s = lax.axis_index("s")
        wid = c * NS + s
        ebase = wid * E_PER_TILE

        def load_block(j, p):
            pltpu.async_copy(
                ei_hbm.at[pl.ds(ebase + j * BLK, BLK)], srcb[p], isem[p])
            pltpu.async_copy(
                ei_hbm.at[pl.ds(N_EDGES + ebase + j * BLK, BLK)],
                dstb[p], isem[p])

        def wait_block(j, p):
            pltpu.make_async_copy(
                ei_hbm.at[pl.ds(ebase + j * BLK, BLK)], srcb[p], isem[p]).wait()
            pltpu.make_async_copy(
                ei_hbm.at[pl.ds(ebase + j * BLK, BLK)], dstb[p], isem[p]).wait()

        load_block(0, 0)

        @pl.loop(0, ZROWS)
        def _(r):
            for j in range(D_PAD // 16):
                rows[0][r, pl.ds(j * 16, 16)] = jnp.zeros((16,), jnp.float32)

        row0 = s * ROWS_PER_TILE
        NZC = ROWS_PER_TILE // ZROWS
        @pl.loop(0, NZC)
        def _(b):
            pltpu.async_copy(rows[0], acc_s.at[pl.ds(row0 + b * ZROWS, ZROWS)],
                             ssem[0])

        @pl.loop(0, NZC)
        def _(b):
            pltpu.make_async_copy(
                rows[0], acc_s.at[pl.ds(row0, ZROWS)], ssem[0]).wait()

        plsc.subcore_barrier()

        def gather(p, sv, i):
            pltpu.async_copy(x_hbm.at[sv.at[pl.ds(i * K, K)]], rows[p], gsem[p])

        def gwait(p):
            pltpu.make_async_copy(x_hbm.at[srcb[0].at[pl.ds(0, K)]],
                                  rows[p], gsem[p]).wait()

        def scatter(p, dv, i):
            pltpu.async_copy(rows[p], acc_s.at[dv.at[pl.ds(i * K, K)]],
                             ssem[p], add=True)

        def swait(p):
            pltpu.make_async_copy(
                rows[p], acc_s.at[dstb[0].at[pl.ds(0, K)]], ssem[p]).wait()

        for j in range(NBLK):
            p = j % 2
            sv, dv = srcb[p], dstb[p]
            wait_block(j, p)
            if j + 1 < NBLK:
                load_block(j + 1, 1 - p)

            gather(0, sv, 0)
            gwait(0)
            scatter(0, dv, 0)
            gather(1, sv, 1)

            @pl.loop(0, (BCH - 2) // 2)
            def _(g):
                i0 = 1 + g * 2
                gwait(1)
                scatter(1, dv, i0)
                swait(0)
                gather(0, sv, i0 + 1)
                gwait(0)
                scatter(0, dv, i0 + 1)
                swait(1)
                gather(1, sv, i0 + 2)

            gwait(1)
            scatter(1, dv, BCH - 2)
            swait(0)
            gather(0, sv, BCH - 1)
            gwait(0)
            scatter(0, dv, BCH - 1)
            swait(1)
            swait(0)

        plsc.subcore_barrier()

        @pl.loop(0, NZC // 2)
        def _(b):
            r0 = row0 + (2 * b) * ZROWS
            r1 = row0 + (2 * b + 1) * ZROWS
            pltpu.sync_copy(acc_s.at[pl.ds(r0, ZROWS)], rows[0])
            pltpu.async_copy(rows[0], part_hbm.at[c, pl.ds(r0, ZROWS)], gsem[0])
            pltpu.sync_copy(acc_s.at[pl.ds(r1, ZROWS)], rows[1])
            pltpu.async_copy(rows[1], part_hbm.at[c, pl.ds(r1, ZROWS)], gsem[1])
            pltpu.make_async_copy(
                rows[0], part_hbm.at[c, pl.ds(r0, ZROWS)], gsem[0]).wait()
            pltpu.make_async_copy(
                rows[1], part_hbm.at[c, pl.ds(r1, ZROWS)], gsem[1]).wait()

    return k(x_pad, ei_flat)


def _tc_finish_body(part_ref, w_ref, out_ref):
    ssum = part_ref[0, :N_NODES, :D_IN] + part_ref[1, :N_NODES, :D_IN]
    count = (part_ref[0, :N_NODES, D_IN:D_IN + 1]
             + part_ref[1, :N_NODES, D_IN:D_IN + 1])
    mean = ssum / jnp.maximum(count, 1.0)
    out_ref[...] = lax.dot_general(
        mean, w_ref[...], (((1,), (1,)), ((), ())),
        preferred_element_type=jnp.float32,
    )


def _tc_finish(parts, W):
    return pl.pallas_call(
        _tc_finish_body,
        out_shape=jax.ShapeDtypeStruct((N_NODES, D_HID), jnp.float32),
    )(parts, W)


def kernel(x, edge_index, W):
    ei_flat = edge_index.reshape(-1)
    x_pad = jnp.concatenate(
        [x, jnp.ones((N_NODES, D_PAD - D_IN), jnp.float32)], axis=1)
    parts = _sc_aggregate(x_pad, ei_flat)
    return _tc_finish(parts, W)

# --- scband reference (transcript-rebuilt; emitter-appended) ---
"""Pipeline reference for scband-graph-sage-67834713473670 (READ-ONLY COPY).

The authoritative reference and input builder live on the scoring server;
editing this copy changes nothing except your own understanding.
"""

import jax, jax.numpy as jnp
import numpy as np

N_NODES = 10000
N_EDGES = 320000
D_IN = 128
D_HID = 128


def setup_inputs(seed: int = 0) -> dict:
    key = jax.random.key(seed)
    k1, k2, k3 = jax.random.split(key, 3)
    x = jax.random.normal(k1, (N_NODES, D_IN), dtype=jnp.float32)
    edge_index = jax.random.randint(k2, (2, N_EDGES), 0, N_NODES)
    # SAGEConv lin_l weight (bias=False, root_weight=False): [hidden, in]
    W = jax.random.normal(k3, (D_HID, D_IN), dtype=jnp.float32) * (1.0 / np.sqrt(D_IN))
    return {"x": x, "edge_index": edge_index, "W": W}


def reference(x, edge_index, W):
    # PyG SAGEConv(aggr='mean', bias=False, root_weight=False):
    # out[i] = W @ mean_{j in N(i)} x[j]
    src = edge_index[0]
    dst = edge_index[1]
    msgs = jnp.take(x, src, axis=0)                                   # gather [E, D_IN]
    summed = jax.ops.segment_sum(msgs, dst, num_segments=N_NODES)     # scatter-add [N, D_IN]
    counts = jax.ops.segment_sum(jnp.ones((N_EDGES,), dtype=x.dtype), dst, num_segments=N_NODES)
    mean = summed / jnp.clip(counts, 1.0)[:, None]
    out = mean @ W.T
    return out

if __name__ == "__main__":
    import jax
    _d = setup_inputs()
    print(jax.jit(kernel)(*tuple(_d.values())))

</pallas_src>

<mosaic_0001>
#map = affine_map<(d0, d1) -> (0, 0)>
#map1 = affine_map<(d0, d1) -> (0)>
#map2 = affine_map<(d0, d1) -> (0, 0, 0)>
module attributes {stable_mosaic.version = 14 : i64} {
  func.func @k(%arg0: i32, %arg1: i32, %arg2: memref<10000x144xf32, #tpu.memory_space<hbm>>, %arg3: memref<640000xi32, #tpu.memory_space<hbm>>, %arg4: memref<2x10240x144xf32, #tpu.memory_space<hbm>>, %arg5: memref<2000xi32, #tpu.memory_space<vmem>>, %arg6: memref<2000xi32, #tpu.memory_space<vmem>>, %arg7: memref<2000xi32, #tpu.memory_space<vmem>>, %arg8: memref<2000xi32, #tpu.memory_space<vmem>>, %arg9: memref<80x144xf32, #tpu.memory_space<vmem>>, %arg10: memref<80x144xf32, #tpu.memory_space<vmem>>, %arg11: memref<10240x144xf32, #tpu.memory_space<vmem_shared>>, %arg12: memref<!tpu.dma_semaphore, #tpu.memory_space<semaphore_mem>>, %arg13: memref<!tpu.dma_semaphore, #tpu.memory_space<semaphore_mem>>, %arg14: memref<!tpu.dma_semaphore, #tpu.memory_space<semaphore_mem>>, %arg15: memref<!tpu.dma_semaphore, #tpu.memory_space<semaphore_mem>>, %arg16: memref<!tpu.dma_semaphore, #tpu.memory_space<semaphore_mem>>, %arg17: memref<!tpu.dma_semaphore, #tpu.memory_space<semaphore_mem>>) attributes {dimension_semantics = [#tpu.dimension_semantics<core_parallel>, #tpu.dimension_semantics<subcore_parallel>], iteration_bounds = array<i64: 2, 16>, scalar_prefetch = 0 : i64, scratch_operands = 13 : i64, tpu.core_type = #tpu.core_type<sc_vector_subcore>, window_params = [{transform_indices = #map}, {transform_indices = #map1}, {transform_indices = #map2}]} {
    %mul3A = arith.constant 16 : i32
    %mul3A_0 = arith.muli %arg0, %mul3A : i32
    %add3A = arith.addi %mul3A_0, %arg1 : i32
    %mul3A_1 = arith.constant 10000 : i32
    %mul3A_2 = arith.muli %add3A, %mul3A_1 : i32
    %add3A_3 = arith.constant 0 : i32
    %add3A_4 = arith.addi %mul3A_2, %add3A_3 : i32
    %dma_start3A = tpu.memref_slice %arg3[%add3A_4] : memref<640000xi32, #tpu.memory_space<hbm>> -> memref<2000xi32, #tpu.memory_space<hbm>>
    %dma_start3A_5 = tpu.memref_slice %arg3[%add3A_4] : memref<640000xi32, #tpu.memory_space<hbm>> -> memref<2000xi32, #tpu.memory_space<hbm>>
    tpu.enqueue_dma source(%dma_start3A_5 : memref<2000xi32, #tpu.memory_space<hbm>>) target(%arg5 : memref<2000xi32, #tpu.memory_space<vmem>>) target_semaphore(%arg16 : memref<!tpu.dma_semaphore, #tpu.memory_space<semaphore_mem>>)
    %add3A_6 = arith.constant 320000 : i32
    %add3A_7 = arith.addi %add3A_6, %mul3A_2 : i32
    %add3A_8 = arith.constant 0 : i32
    %add3A_9 = arith.addi %add3A_7, %add3A_8 : i32
    %dma_start3A_10 = tpu.memref_slice %arg3[%add3A_9] : memref<640000xi32, #tpu.memory_space<hbm>> -> memref<2000xi32, #tpu.memory_space<hbm>>
    %dma_start3A_11 = tpu.memref_slice %arg3[%add3A_9] : memref<640000xi32, #tpu.memory_space<hbm>> -> memref<2000xi32, #tpu.memory_space<hbm>>
    tpu.enqueue_dma source(%dma_start3A_11 : memref<2000xi32, #tpu.memory_space<hbm>>) target(%arg7 : memref<2000xi32, #tpu.memory_space<vmem>>) target_semaphore(%arg16 : memref<!tpu.dma_semaphore, #tpu.memory_space<semaphore_mem>>)
    %scan3A = arith.constant 0 : i32
    %scan3A_12 = arith.constant 80 : i32
    %scan3A_13 = arith.addi %scan3A, %scan3A_12 : i32
    %scan3A_14 = arith.constant 1 : i32
    scf.for %scan3A_438 = %scan3A to %scan3A_13 step %scan3A_14  : i32 {
      %mul3A_439 = arith.constant 1 : i32
      %mul3A_440 = arith.muli %scan3A_438, %mul3A_439 : i32
      %add3A_441 = arith.constant 0 : i32
      %add3A_442 = arith.addi %add3A_441, %mul3A_440 : i32
      %broadcast_in_dim3A = arith.constant 0.000000e+00 : f32
      %broadcast_in_dim3A_443 = vector.broadcast %broadcast_in_dim3A : f32 to vector<16xf32>
      %swap3A = arith.index_cast %add3A_442 : i32 to index
      %swap3A_444 = arith.constant 0 : index
      %swap3A_445 = tpu.vector_load %arg9[%swap3A, %swap3A_444] {strides = array<i32>} : memref<80x144xf32, #tpu.memory_space<vmem>>, vector<1x16xf32>,
      %swap3A_446 = vector.shape_cast %swap3A_445 : vector<1x16xf32> to vector<16xf32>
      %swap3A_447 = vector.shape_cast %broadcast_in_dim3A_443 : vector<16xf32> to vector<1x16xf32>
      tpu.vector_store %arg9[%swap3A, %swap3A_444], %swap3A_447 {strides = array<i32>} : memref<80x144xf32, #tpu.memory_space<vmem>>, vector<1x16xf32>,
      %broadcast_in_dim3A_448 = arith.constant 0.000000e+00 : f32
      %broadcast_in_dim3A_449 = vector.broadcast %broadcast_in_dim3A_448 : f32 to vector<16xf32>
      %swap3A_450 = arith.index_cast %add3A_442 : i32 to index
      %swap3A_451 = arith.constant 16 : index
      %swap3A_452 = tpu.vector_load %arg9[%swap3A_450, %swap3A_451] {strides = array<i32>} : memref<80x144xf32, #tpu.memory_space<vmem>>, vector<1x16xf32>,
      %swap3A_453 = vector.shape_cast %swap3A_452 : vector<1x16xf32> to vector<16xf32>
      %swap3A_454 = vector.shape_cast %broadcast_in_dim3A_449 : vector<16xf32> to vector<1x16xf32>
      tpu.vector_store %arg9[%swap3A_450, %swap3A_451], %swap3A_454 {strides = array<i32>} : memref<80x144xf32, #tpu.memory_space<vmem>>, vector<1x16xf32>,
      %broadcast_in_dim3A_455 = arith.constant 0.000000e+00 : f32
      %broadcast_in_dim3A_456 = vector.broadcast %broadcast_in_dim3A_455 : f32 to vector<16xf32>
      %swap3A_457 = arith.index_cast %add3A_442 : i32 to index
      %swap3A_458 = arith.constant 32 : index
      %swap3A_459 = tpu.vector_load %arg9[%swap3A_457, %swap3A_458] {strides = array<i32>} : memref<80x144xf32, #tpu.memory_space<vmem>>, vector<1x16xf32>,
      %swap3A_460 = vector.shape_cast %swap3A_459 : vector<1x16xf32> to vector<16xf32>
      %swap3A_461 = vector.shape_cast %broadcast_in_dim3A_456 : vector<16xf32> to vector<1x16xf32>
      tpu.vector_store %arg9[%swap3A_457, %swap3A_458], %swap3A_461 {strides = array<i32>} : memref<80x144xf32, #tpu.memory_space<vmem>>, vector<1x16xf32>,
      %broadcast_in_dim3A_462 = arith.constant 0.000000e+00 : f32
      %broadcast_in_dim3A_463 = vector.broadcast %broadcast_in_dim3A_462 : f32 to vector<16xf32>
      %swap3A_464 = arith.index_cast %add3A_442 : i32 to index
      %swap3A_465 = arith.constant 48 : index
      %swap3A_466 = tpu.vector_load %arg9[%swap3A_464, %swap3A_465] {strides = array<i32>} : memref<80x144xf32, #tpu.memory_space<vmem>>, vector<1x16xf32>,
      %swap3A_467 = vector.shape_cast %swap3A_466 : vector<1x16xf32> to vector<16xf32>
      %swap3A_468 = vector.shape_cast %broadcast_in_dim3A_463 : vector<16xf32> to vector<1x16xf32>
      tpu.vector_store %arg9[%swap3A_464, %swap3A_465], %swap3A_468 {strides = array<i32>} : memref<80x144xf32, #tpu.memory_space<vmem>>, vector<1x16xf32>,
      %broadcast_in_dim3A_469 = arith.constant 0.000000e+00 : f32
      %broadcast_in_dim3A_470 = vector.broadcast %broadcast_in_dim3A_469 : f32 to vector<16xf32>
      %swap3A_471 = arith.index_cast %add3A_442 : i32 to index
      %swap3A_472 = arith.constant 64 : index
      %swap3A_473 = tpu.vector_load %arg9[%swap3A_471, %swap3A_472] {strides = array<i32>} : memref<80x144xf32, #tpu.memory_space<vmem>>, vector<1x16xf32>,
      %swap3A_474 = vector.shape_cast %swap3A_473 : vector<1x16xf32> to vector<16xf32>
      %swap3A_475 = vector.shape_cast %broadcast_in_dim3A_470 : vector<16xf32> to vector<1x16xf32>
      tpu.vector_store %arg9[%swap3A_471, %swap3A_472], %swap3A_475 {strides = array<i32>} : memref<80x144xf32, #tpu.memory_space<vmem>>, vector<1x16xf32>,
      %broadcast_in_dim3A_476 = arith.constant 0.000000e+00 : f32
      %broadcast_in_dim3A_477 = vector.broadcast %broadcast_in_dim3A_476 : f32 to vector<16xf32>
      %swap3A_478 = arith.index_cast %add3A_442 : i32 to index
      %swap3A_479 = arith.constant 80 : index
      %swap3A_480 = tpu.vector_load %arg9[%swap3A_478, %swap3A_479] {strides = array<i32>} : memref<80x144xf32, #tpu.memory_space<vmem>>, vector<1x16xf32>,
      %swap3A_481 = vector.shape_cast %swap3A_480 : vector<1x16xf32> to vector<16xf32>
      %swap3A_482 = vector.shape_cast %broadcast_in_dim3A_477 : vector<16xf32> to vector<1x16xf32>
      tpu.vector_store %arg9[%swap3A_478, %swap3A_479], %swap3A_482 {strides = array<i32>} : memref<80x144xf32, #tpu.memory_space<vmem>>, vector<1x16xf32>,
      %broadcast_in_dim3A_483 = arith.constant 0.000000e+00 : f32
      %broadcast_in_dim3A_484 = vector.broadcast %broadcast_in_dim3A_483 : f32 to vector<16xf32>
      %swap3A_485 = arith.index_cast %add3A_442 : i32 to index
      %swap3A_486 = arith.constant 96 : index
      %swap3A_487 = tpu.vector_load %arg9[%swap3A_485, %swap3A_486] {strides = array<i32>} : memref<80x144xf32, #tpu.memory_space<vmem>>, vector<1x16xf32>,
      %swap3A_488 = vector.shape_cast %swap3A_487 : vector<1x16xf32> to vector<16xf32>
      %swap3A_489 = vector.shape_cast %broadcast_in_dim3A_484 : vector<16xf32> to vector<1x16xf32>
      tpu.vector_store %arg9[%swap3A_485, %swap3A_486], %swap3A_489 {strides = array<i32>} : memref<80x144xf32, #tpu.memory_space<vmem>>, vector<1x16xf32>,
      %broadcast_in_dim3A_490 = arith.constant 0.000000e+00 : f32
      %broadcast_in_dim3A_491 = vector.broadcast %broadcast_in_dim3A_490 : f32 to vector<16xf32>
      %swap3A_492 = arith.index_cast %add3A_442 : i32 to index
      %swap3A_493 = arith.constant 112 : index
      %swap3A_494 = tpu.vector_load %arg9[%swap3A_492, %swap3A_493] {strides = array<i32>} : memref<80x144xf32, #tpu.memory_space<vmem>>, vector<1x16xf32>,
      %swap3A_495 = vector.shape_cast %swap3A_494 : vector<1x16xf32> to vector<16xf32>
      %swap3A_496 = vector.shape_cast %broadcast_in_dim3A_491 : vector<16xf32> to vector<1x16xf32>
      tpu.vector_store %arg9[%swap3A_492, %swap3A_493], %swap3A_496 {strides = array<i32>} : memref<80x144xf32, #tpu.memory_space<vmem>>, vector<1x16xf32>,
      %broadcast_in_dim3A_497 = arith.constant 0.000000e+00 : f32
      %broadcast_in_dim3A_498 = vector.broadcast %broadcast_in_dim3A_497 : f32 to vector<16xf32>
      %swap3A_499 = arith.index_cast %add3A_442 : i32 to index
      %swap3A_500 = arith.constant 128 : index
      %swap3A_501 = tpu.vector_load %arg9[%swap3A_499, %swap3A_500] {strides = array<i32>} : memref<80x144xf32, #tpu.memory_space<vmem>>, vector<1x16xf32>,
      %swap3A_502 = vector.shape_cast %swap3A_501 : vector<1x16xf32> to vector<16xf32>
      %swap3A_503 = vector.shape_cast %broadcast_in_dim3A_498 : vector<16xf32> to vector<1x16xf32>
      tpu.vector_store %arg9[%swap3A_499, %swap3A_500], %swap3A_503 {strides = array<i32>} : memref<80x144xf32, #tpu.memory_space<vmem>>, vector<1x16xf32>,
    }
    %scan3A_15 = arith.constant 80 : i32
    %mul3A_16 = arith.constant 640 : i32
    %mul3A_17 = arith.muli %arg1, %mul3A_16 : i32
    %scan3A_18 = arith.constant 0 : i32
    %scan3A_19 = arith.constant 8 : i32
    %scan3A_20 = arith.addi %scan3A_18, %scan3A_19 : i32
    %scan3A_21 = arith.constant 1 : i32
    scf.for %scan3A_438 = %scan3A_18 to %scan3A_20 step %scan3A_21  : i32 {
      %mul3A_439 = arith.constant 1 : i32
      %mul3A_440 = arith.muli %scan3A_438, %mul3A_439 : i32
      %add3A_441 = arith.constant 0 : i32
      %add3A_442 = arith.addi %add3A_441, %mul3A_440 : i32
      %mul3A_443 = arith.constant 80 : i32
      %mul3A_444 = arith.muli %add3A_442, %mul3A_443 : i32
      %add3A_445 = arith.addi %mul3A_17, %mul3A_444 : i32
      %dma_start3A_446 = arith.constant 0 : i32
      %dma_start3A_447 = tpu.memref_slice %arg11[%add3A_445, %dma_start3A_446] : memref<10240x144xf32, #tpu.memory_space<vmem_shared>> -> memref<80x144xf32, #tpu.memory_space<vmem_shared>>
      %dma_start3A_448 = arith.constant 0 : i32
      %dma_start3A_449 = tpu.memref_slice %arg11[%add3A_445, %dma_start3A_448] : memref<10240x144xf32, #tpu.memory_space<vmem_shared>> -> memref<80x144xf32, #tpu.memory_space<vmem_shared>>
      tpu.enqueue_dma source(%arg9 : memref<80x144xf32, #tpu.memory_space<vmem>>) target(%dma_start3A_449 : memref<80x144xf32, #tpu.memory_space<vmem_shared>>) target_semaphore(%arg14 : memref<!tpu.dma_semaphore, #tpu.memory_space<semaphore_mem>>)
    }
    %scan3A_22 = arith.constant 8 : i32
    %scan3A_23 = arith.constant 0 : i32
    %scan3A_24 = arith.constant 8 : i32
    %scan3A_25 = arith.addi %scan3A_23, %scan3A_24 : i32
    %scan3A_26 = arith.constant 1 : i32
    scf.for %scan3A_438 = %scan3A_23 to %scan3A_25 step %scan3A_26  : i32 {
      %mul3A_439 = arith.constant 1 : i32
      %mul3A_440 = arith.muli %scan3A_438, %mul3A_439 : i32
      %add3A_441 = arith.constant 0 : i32
      %add3A_442 = arith.addi %add3A_441, %mul3A_440 : i32
      %dma_wait3A_443 = arith.constant 0 : i32
      %dma_wait3A_444 = tpu.memref_slice %arg11[%mul3A_17, %dma_wait3A_443] : memref<10240x144xf32, #tpu.memory_space<vmem_shared>> -> memref<80x144xf32, #tpu.memory_space<vmem_shared>>
      %dma_wait3A_445 = arith.constant 0 : i32
      %dma_wait3A_446 = tpu.memref_slice %arg11[%mul3A_17, %dma_wait3A_445] : memref<10240x144xf32, #tpu.memory_space<vmem_shared>> -> memref<80x144xf32, #tpu.memory_space<vmem_shared>>
      tpu.wait_dma2 semaphore(%arg14 : memref<!tpu.dma_semaphore, #tpu.memory_space<semaphore_mem>>) src(%arg9 : memref<80x144xf32, #tpu.memory_space<vmem>>) dst(%dma_wait3A_446 : memref<80x144xf32, #tpu.memory_space<vmem_shared>>)
    }
    %scan3A_27 = arith.constant 8 : i32
    %barrier3A = arith.constant 0 : index
    tpu.barrier barrier_id(%barrier3A)
    %add3A_28 = arith.constant 0 : i32
    %add3A_29 = arith.addi %mul3A_2, %add3A_28 : i32
    %dma_wait3A = tpu.memref_slice %arg3[%add3A_29] : memref<640000xi32, #tpu.memory_space<hbm>> -> memref<2000xi32, #tpu.memory_space<hbm>>
    %dma_wait3A_30 = tpu.memref_slice %arg3[%add3A_29] : memref<640000xi32, #tpu.memory_space<hbm>> -> memref<2000xi32, #tpu.memory_space<hbm>>
    tpu.wait_dma2 semaphore(%arg16 : memref<!tpu.dma_semaphore, #tpu.memory_space<semaphore_mem>>) src(%dma_wait3A_30 : memref<2000xi32, #tpu.memory_space<hbm>>) dst(%arg5 : memref<2000xi32, #tpu.memory_space<vmem>>)
    %add3A_31 = arith.constant 0 : i32
    %add3A_32 = arith.addi %mul3A_2, %add3A_31 : i32
    %dma_wait3A_33 = tpu.memref_slice %arg3[%add3A_32] : memref<640000xi32, #tpu.memory_space<hbm>> -> memref<2000xi32, #tpu.memory_space<hbm>>
    %dma_wait3A_34 = tpu.memref_slice %arg3[%add3A_32] : memref<640000xi32, #tpu.memory_space<hbm>> -> memref<2000xi32, #tpu.memory_space<hbm>>
    tpu.wait_dma2 semaphore(%arg16 : memref<!tpu.dma_semaphore, #tpu.memory_space<semaphore_mem>>) src(%dma_wait3A_34 : memref<2000xi32, #tpu.memory_space<hbm>>) dst(%arg7 : memref<2000xi32, #tpu.memory_space<vmem>>)
    %add3A_35 = arith.constant 2000 : i32
    %add3A_36 = arith.addi %mul3A_2, %add3A_35 : i32
    %dma_start3A_37 = tpu.memref_slice %arg3[%add3A_36] : memref<640000xi32, #tpu.memory_space<hbm>> -> memref<2000xi32, #tpu.memory_space<hbm>>
    %dma_start3A_38 = tpu.memref_slice %arg3[%add3A_36] : memref<640000xi32, #tpu.memory_space<hbm>> -> memref<2000xi32, #tpu.memory_space<hbm>>
    tpu.enqueue_dma source(%dma_start3A_38 : memref<2000xi32, #tpu.memory_space<hbm>>) target(%arg6 : memref<2000xi32, #tpu.memory_space<vmem>>) target_semaphore(%arg17 : memref<!tpu.dma_semaphore, #tpu.memory_space<semaphore_mem>>)
    %add3A_39 = arith.constant 320000 : i32
    %add3A_40 = arith.addi %add3A_39, %mul3A_2 : i32
    %add3A_41 = arith.constant 2000 : i32
    %add3A_42 = arith.addi %add3A_40, %add3A_41 : i32
    %dma_start3A_43 = tpu.memref_slice %arg3[%add3A_42] : memref<640000xi32, #tpu.memory_space<hbm>> -> memref<2000xi32, #tpu.memory_space<hbm>>
    %dma_start3A_44 = tpu.memref_slice %arg3[%add3A_42] : memref<640000xi32, #tpu.memory_space<hbm>> -> memref<2000xi32, #tpu.memory_space<hbm>>
    tpu.enqueue_dma source(%dma_start3A_44 : memref<2000xi32, #tpu.memory_space<hbm>>) target(%arg8 : memref<2000xi32, #tpu.memory_space<vmem>>) target_semaphore(%arg17 : memref<!tpu.dma_semaphore, #tpu.memory_space<semaphore_mem>>)
    %dma_start3A_45 = arith.constant 0 : i32
    %dma_start3A_46 = tpu.memref_slice %arg5[%dma_start3A_45] : memref<2000xi32, #tpu.memory_space<vmem>> -> memref<80xi32, #tpu.memory_space<vmem>>
    %dma_start3A_47 = arith.constant 0 : i32
    %dma_start3A_48 = arith.constant 0 : i32
    %dma_start3A_49 = tpu.memref_slice %arg2[%dma_start3A_47, %dma_start3A_48] : memref<10000x144xf32, #tpu.memory_space<hbm>> -> memref<10000x144xf32, #tpu.memory_space<hbm>>
    tpu.enqueue_indirect_dma source(%dma_start3A_49 : memref<10000x144xf32, #tpu.memory_space<hbm>>) target(%arg9 : memref<80x144xf32, #tpu.memory_space<vmem>>) offsets(%dma_start3A_46 : memref<80xi32, #tpu.memory_space<vmem>>) semaphore(%arg12 : memref<!tpu.dma_semaphore, #tpu.memory_space<semaphore_mem>>)
    %dma_wait3A_50 = arith.constant 0 : i32
    %dma_wait3A_51 = tpu.memref_slice %arg5[%dma_wait3A_50] : memref<2000xi32, #tpu.memory_space<vmem>> -> memref<80xi32, #tpu.memory_space<vmem>>
    %dma_wait3A_52 = arith.constant 0 : i32
    %dma_wait3A_53 = arith.constant 0 : i32
    %dma_wait3A_54 = tpu.memref_slice %arg2[%dma_wait3A_52, %dma_wait3A_53] : memref<10000x144xf32, #tpu.memory_space<hbm>> -> memref<10000x144xf32, #tpu.memory_space<hbm>>
    tpu.wait_indirect_dma semaphore(%arg12 : memref<!tpu.dma_semaphore, #tpu.memory_space<semaphore_mem>>) src(%dma_wait3A_54 : memref<10000x144xf32, #tpu.memory_space<hbm>>) dst(%arg9 : memref<80x144xf32, #tpu.memory_space<vmem>>)
    %dma_start3A_55 = arith.constant 0 : i32
    %dma_start3A_56 = tpu.memref_slice %arg7[%dma_start3A_55] : memref<2000xi32, #tpu.memory_space<vmem>> -> memref<80xi32, #tpu.memory_space<vmem>>
    %dma_start3A_57 = arith.constant 0 : i32
    %dma_start3A_58 = arith.constant 0 : i32
    %dma_start3A_59 = tpu.memref_slice %arg11[%dma_start3A_57, %dma_start3A_58] : memref<10240x144xf32, #tpu.memory_space<vmem_shared>> -> memref<10240x144xf32, #tpu.memory_space<vmem_shared>>
    tpu.enqueue_indirect_dma source(%arg9 : memref<80x144xf32, #tpu.memory_space<vmem>>) target(%dma_start3A_59 : memref<10240x144xf32, #tpu.memory_space<vmem_shared>>) offsets(%dma_start3A_56 : memref<80xi32, #tpu.memory_space<vmem>>) semaphore(%arg14 : memref<!tpu.dma_semaphore, #tpu.memory_space<semaphore_mem>>) {add = true}
    %dma_start3A_60 = arith.constant 80 : i32
    %dma_start3A_61 = tpu.memref_slice %arg5[%dma_start3A_60] : memref<2000xi32, #tpu.memory_space<vmem>> -> memref<80xi32, #tpu.memory_space<vmem>>
    %dma_start3A_62 = arith.constant 0 : i32
    %dma_start3A_63 = arith.constant 0 : i32
    %dma_start3A_64 = tpu.memref_slice %arg2[%dma_start3A_62, %dma_start3A_63] : memref<10000x144xf32, #tpu.memory_space<hbm>> -> memref<10000x144xf32, #tpu.memory_space<hbm>>
    tpu.enqueue_indirect_dma source(%dma_start3A_64 : memref<10000x144xf32, #tpu.memory_space<hbm>>) target(%arg10 : memref<80x144xf32, #tpu.memory_space<vmem>>) offsets(%dma_start3A_61 : memref<80xi32, #tpu.memory_space<vmem>>) semaphore(%arg13 : memref<!tpu.dma_semaphore, #tpu.memory_space<semaphore_mem>>)
    %scan3A_65 = arith.constant 0 : i32
    %scan3A_66 = arith.constant 11 : i32
    %scan3A_67 = arith.addi %scan3A_65, %scan3A_66 : i32
    %scan3A_68 = arith.constant 1 : i32
    scf.for %scan3A_438 = %scan3A_65 to %scan3A_67 step %scan3A_68  : i32 {
      %mul3A_439 = arith.constant 1 : i32
      %mul3A_440 = arith.muli %scan3A_438, %mul3A_439 : i32
      %add3A_441 = arith.constant 0 : i32
      %add3A_442 = arith.addi %add3A_441, %mul3A_440 : i32
      %mul3A_443 = arith.constant 2 : i32
      %mul3A_444 = arith.muli %add3A_442, %mul3A_443 : i32
      %add3A_445 = arith.constant 1 : i32
      %add3A_446 = arith.addi %add3A_445, %mul3A_444 : i32
      %dma_wait3A_447 = arith.constant 0 : i32
      %dma_wait3A_448 = tpu.memref_slice %arg5[%dma_wait3A_447] : memref<2000xi32, #tpu.memory_space<vmem>> -> memref<80xi32, #tpu.memory_space<vmem>>
      %dma_wait3A_449 = arith.constant 0 : i32
      %dma_wait3A_450 = arith.constant 0 : i32
      %dma_wait3A_451 = tpu.memref_slice %arg2[%dma_wait3A_449, %dma_wait3A_450] : memref<10000x144xf32, #tpu.memory_space<hbm>> -> memref<10000x144xf32, #tpu.memory_space<hbm>>
      tpu.wait_indirect_dma semaphore(%arg13 : memref<!tpu.dma_semaphore, #tpu.memory_space<semaphore_mem>>) src(%dma_wait3A_451 : memref<10000x144xf32, #tpu.memory_space<hbm>>) dst(%arg10 : memref<80x144xf32, #tpu.memory_space<vmem>>)
      %mul3A_452 = arith.constant 80 : i32
      %mul3A_453 = arith.muli %add3A_446, %mul3A_452 : i32
      %dma_start3A_454 = tpu.memref_slice %arg7[%mul3A_453] : memref<2000xi32, #tpu.memory_space<vmem>> -> memref<80xi32, #tpu.memory_space<vmem>>
      %dma_start3A_455 = arith.constant 0 : i32
      %dma_start3A_456 = arith.constant 0 : i32
      %dma_start3A_457 = tpu.memref_slice %arg11[%dma_start3A_455, %dma_start3A_456] : memref<10240x144xf32, #tpu.memory_space<vmem_shared>> -> memref<10240x144xf32, #tpu.memory_space<vmem_shared>>
      tpu.enqueue_indirect_dma source(%arg10 : memref<80x144xf32, #tpu.memory_space<vmem>>) target(%dma_start3A_457 : memref<10240x144xf32, #tpu.memory_space<vmem_shared>>) offsets(%dma_start3A_454 : memref<80xi32, #tpu.memory_space<vmem>>) semaphore(%arg15 : memref<!tpu.dma_semaphore, #tpu.memory_space<semaphore_mem>>) {add = true}
      %dma_wait3A_458 = arith.constant 0 : i32
      %dma_wait3A_459 = tpu.memref_slice %arg7[%dma_wait3A_458] : memref<2000xi32, #tpu.memory_space<vmem>> -> memref<80xi32, #tpu.memory_space<vmem>>
      %dma_wait3A_460 = arith.constant 0 : i32
      %dma_wait3A_461 = arith.constant 0 : i32
      %dma_wait3A_462 = tpu.memref_slice %arg11[%dma_wait3A_460, %dma_wait3A_461] : memref<10240x144xf32, #tpu.memory_space<vmem_shared>> -> memref<10240x144xf32, #tpu.memory_space<vmem_shared>>
      tpu.wait_indirect_dma semaphore(%arg14 : memref<!tpu.dma_semaphore, #tpu.memory_space<semaphore_mem>>) src(%arg9 : memref<80x144xf32, #tpu.memory_space<vmem>>) dst(%dma_wait3A_462 : memref<10240x144xf32, #tpu.memory_space<vmem_shared>>)
      %add3A_463 = arith.constant 1 : i32
      %add3A_464 = arith.addi %add3A_446, %add3A_463 : i32
      %mul3A_465 = arith.constant 80 : i32
      %mul3A_466 = arith.muli %add3A_464, %mul3A_465 : i32
      %dma_start3A_467 = tpu.memref_slice %arg5[%mul3A_466] : memref<2000xi32, #tpu.memory_space<vmem>> -> memref<80xi32, #tpu.memory_space<vmem>>
      %dma_start3A_468 = arith.constant 0 : i32
      %dma_start3A_469 = arith.constant 0 : i32
      %dma_start3A_470 = tpu.memref_slice %arg2[%dma_start3A_468, %dma_start3A_469] : memref<10000x144xf32, #tpu.memory_space<hbm>> -> memref<10000x144xf32, #tpu.memory_space<hbm>>
      tpu.enqueue_indirect_dma source(%dma_start3A_470 : memref<10000x144xf32, #tpu.memory_space<hbm>>) target(%arg9 : memref<80x144xf32, #tpu.memory_space<vmem>>) offsets(%dma_start3A_467 : memref<80xi32, #tpu.memory_space<vmem>>) semaphore(%arg12 : memref<!tpu.dma_semaphore, #tpu.memory_space<semaphore_mem>>)
      %dma_wait3A_471 = arith.constant 0 : i32
      %dma_wait3A_472 = tpu.memref_slice %arg5[%dma_wait3A_471] : memref<2000xi32, #tpu.memory_space<vmem>> -> memref<80xi32, #tpu.memory_space<vmem>>
      %dma_wait3A_473 = arith.constant 0 : i32
      %dma_wait3A_474 = arith.constant 0 : i32
      %dma_wait3A_475 = tpu.memref_slice %arg2[%dma_wait3A_473, %dma_wait3A_474] : memref<10000x144xf32, #tpu.memory_space<hbm>> -> memref<10000x144xf32, #tpu.memory_space<hbm>>
      tpu.wait_indirect_dma semaphore(%arg12 : memref<!tpu.dma_semaphore, #tpu.memory_space<semaphore_mem>>) src(%dma_wait3A_475 : memref<10000x144xf32, #tpu.memory_space<hbm>>) dst(%arg9 : memref<80x144xf32, #tpu.memory_space<vmem>>)
      %add3A_476 = arith.constant 1 : i32
      %add3A_477 = arith.addi %add3A_446, %add3A_476 : i32
      %mul3A_478 = arith.constant 80 : i32
      %mul3A_479 = arith.muli %add3A_477, %mul3A_478 : i32
      %dma_start3A_480 = tpu.memref_slice %arg7[%mul3A_479] : memref<2000xi32, #tpu.memory_space<vmem>> -> memref<80xi32, #tpu.memory_space<vmem>>
      %dma_start3A_481 = arith.constant 0 : i32
      %dma_start3A_482 = arith.constant 0 : i32
      %dma_start3A_483 = tpu.memref_slice %arg11[%dma_start3A_481, %dma_start3A_482] : memref<10240x144xf32, #tpu.memory_space<vmem_shared>> -> memref<10240x144xf32, #tpu.memory_space<vmem_shared>>
      tpu.enqueue_indirect_dma source(%arg9 : memref<80x144xf32, #tpu.memory_space<vmem>>) target(%dma_start3A_483 : memref<10240x144xf32, #tpu.memory_space<vmem_shared>>) offsets(%dma_start3A_480 : memref<80xi32, #tpu.memory_space<vmem>>) semaphore(%arg14 : memref<!tpu.dma_semaphore, #tpu.memory_space<semaphore_mem>>) {add = true}
      %dma_wait3A_484 = arith.constant 0 : i32
      %dma_wait3A_485 = tpu.memref_slice %arg7[%dma_wait3A_484] : memref<2000xi32, #tpu.memory_space<vmem>> -> memref<80xi32, #tpu.memory_space<vmem>>
      %dma_wait3A_486 = arith.constant 0 : i32
      %dma_wait3A_487 = arith.constant 0 : i32
      %dma_wait3A_488 = tpu.memref_slice %arg11[%dma_wait3A_486, %dma_wait3A_487] : memref<10240x144xf32, #tpu.memory_space<vmem_shared>> -> memref<10240x144xf32, #tpu.memory_space<vmem_shared>>
      tpu.wait_indirect_dma semaphore(%arg15 : memref<!tpu.dma_semaphore, #tpu.memory_space<semaphore_mem>>) src(%arg10 : memref<80x144xf32, #tpu.memory_space<vmem>>) dst(%dma_wait3A_488 : memref<10240x144xf32, #tpu.memory_space<vmem_shared>>)
      %add3A_489 = arith.constant 2 : i32
      %add3A_490 = arith.addi %add3A_446, %add3A_489 : i32
      %mul3A_491 = arith.constant 80 : i32
      %mul3A_492 = arith.muli %add3A_490, %mul3A_491 : i32
      %dma_start3A_493 = tpu.memref_slice %arg5[%mul3A_492] : memref<2000xi32, #tpu.memory_space<vmem>> -> memref<80xi32, #tpu.memory_space<vmem>>
      %dma_start3A_494 = arith.constant 0 : i32
      %dma_start3A_495 = arith.constant 0 : i32
      %dma_start3A_496 = tpu.memref_slice %arg2[%dma_start3A_494, %dma_start3A_495] : memref<10000x144xf32, #tpu.memory_space<hbm>> -> memref<10000x144xf32, #tpu.memory_space<hbm>>
      tpu.enqueue_indirect_dma source(%dma_start3A_496 : memref<10000x144xf32, #tpu.memory_space<hbm>>) target(%arg10 : memref<80x144xf32, #tpu.memory_space<vmem>>) offsets(%dma_start3A_493 : memref<80xi32, #tpu.memory_space<vmem>>) semaphore(%arg13 : memref<!tpu.dma_semaphore, #tpu.memory_space<semaphore_mem>>)
    }
    %scan3A_69 = arith.constant 11 : i32
    %dma_wait3A_70 = arith.constant 0 : i32
    %dma_wait3A_71 = tpu.memref_slice %arg5[%dma_wait3A_70] : memref<2000xi32, #tpu.memory_space<vmem>> -> memref<80xi32, #tpu.memory_space<vmem>>
    %dma_wait3A_72 = arith.constant 0 : i32
    %dma_wait3A_73 = arith.constant 0 : i32
    %dma_wait3A_74 = tpu.memref_slice %arg2[%dma_wait3A_72, %dma_wait3A_73] : memref<10000x144xf32, #tpu.memory_space<hbm>> -> memref<10000x144xf32, #tpu.memory_space<hbm>>
    tpu.wait_indirect_dma semaphore(%arg13 : memref<!tpu.dma_semaphore, #tpu.memory_space<semaphore_mem>>) src(%dma_wait3A_74 : memref<10000x144xf32, #tpu.memory_space<hbm>>) dst(%arg10 : memref<80x144xf32, #tpu.memory_space<vmem>>)
    %dma_start3A_75 = arith.constant 1840 : i32
    %dma_start3A_76 = tpu.memref_slice %arg7[%dma_start3A_75] : memref<2000xi32, #tpu.memory_space<vmem>> -> memref<80xi32, #tpu.memory_space<vmem>>
    %dma_start3A_77 = arith.constant 0 : i32
    %dma_start3A_78 = arith.constant 0 : i32
    %dma_start3A_79 = tpu.memref_slice %arg11[%dma_start3A_77, %dma_start3A_78] : memref<10240x144xf32, #tpu.memory_space<vmem_shared>> -> memref<10240x144xf32, #tpu.memory_space<vmem_shared>>
    tpu.enqueue_indirect_dma source(%arg10 : memref<80x144xf32, #tpu.memory_space<vmem>>) target(%dma_start3A_79 : memref<10240x144xf32, #tpu.memory_space<vmem_shared>>) offsets(%dma_start3A_76 : memref<80xi32, #tpu.memory_space<vmem>>) semaphore(%arg15 : memref<!tpu.dma_semaphore, #tpu.memory_space<semaphore_mem>>) {add = true}
    %dma_wait3A_80 = arith.constant 0 : i32
    %dma_wait3A_81 = tpu.memref_slice %arg7[%dma_wait3A_80] : memref<2000xi32, #tpu.memory_space<vmem>> -> memref<80xi32, #tpu.memory_space<vmem>>
    %dma_wait3A_82 = arith.constant 0 : i32
    %dma_wait3A_83 = arith.constant 0 : i32
    %dma_wait3A_84 = tpu.memref_slice %arg11[%dma_wait3A_82, %dma_wait3A_83] : memref<10240x144xf32, #tpu.memory_space<vmem_shared>> -> memref<10240x144xf32, #tpu.memory_space<vmem_shared>>
    tpu.wait_indirect_dma semaphore(%arg14 : memref<!tpu.dma_semaphore, #tpu.memory_space<semaphore_mem>>) src(%arg9 : memref<80x144xf32, #tpu.memory_space<vmem>>) dst(%dma_wait3A_84 : memref<10240x144xf32, #tpu.memory_space<vmem_shared>>)
    %dma_start3A_85 = arith.constant 1920 : i32
    %dma_start3A_86 = tpu.memref_slice %arg5[%dma_start3A_85] : memref<2000xi32, #tpu.memory_space<vmem>> -> memref<80xi32, #tpu.memory_space<vmem>>
    %dma_start3A_87 = arith.constant 0 : i32
    %dma_start3A_88 = arith.constant 0 : i32
    %dma_start3A_89 = tpu.memref_slice %arg2[%dma_start3A_87, %dma_start3A_88] : memref<10000x144xf32, #tpu.memory_space<hbm>> -> memref<10000x144xf32, #tpu.memory_space<hbm>>
    tpu.enqueue_indirect_dma source(%dma_start3A_89 : memref<10000x144xf32, #tpu.memory_space<hbm>>) target(%arg9 : memref<80x144xf32, #tpu.memory_space<vmem>>) offsets(%dma_start3A_86 : memref<80xi32, #tpu.memory_space<vmem>>) semaphore(%arg12 : memref<!tpu.dma_semaphore, #tpu.memory_space<semaphore_mem>>)
    %dma_wait3A_90 = arith.constant 0 : i32
    %dma_wait3A_91 = tpu.memref_slice %arg5[%dma_wait3A_90] : memref<2000xi32, #tpu.memory_space<vmem>> -> memref<80xi32, #tpu.memory_space<vmem>>
    %dma_wait3A_92 = arith.constant 0 : i32
    %dma_wait3A_93 = arith.constant 0 : i32
    %dma_wait3A_94 = tpu.memref_slice %arg2[%dma_wait3A_92, %dma_wait3A_93] : memref<10000x144xf32, #tpu.memory_space<hbm>> -> memref<10000x144xf32, #tpu.memory_space<hbm>>
    tpu.wait_indirect_dma semaphore(%arg12 : memref<!tpu.dma_semaphore, #tpu.memory_space<semaphore_mem>>) src(%dma_wait3A_94 : memref<10000x144xf32, #tpu.memory_space<hbm>>) dst(%arg9 : memref<80x144xf32, #tpu.memory_space<vmem>>)
    %dma_start3A_95 = arith.constant 1920 : i32
    %dma_start3A_96 = tpu.memref_slice %arg7[%dma_start3A_95] : memref<2000xi32, #tpu.memory_space<vmem>> -> memref<80xi32, #tpu.memory_space<vmem>>
    %dma_start3A_97 = arith.constant 0 : i32
    %dma_start3A_98 = arith.constant 0 : i32
    %dma_start3A_99 = tpu.memref_slice %arg11[%dma_start3A_97, %dma_start3A_98] : memref<10240x144xf32, #tpu.memory_space<vmem_shared>> -> memref<10240x144xf32, #tpu.memory_space<vmem_shared>>
    tpu.enqueue_indirect_dma source(%arg9 : memref<80x144xf32, #tpu.memory_space<vmem>>) target(%dma_start3A_99 : memref<10240x144xf32, #tpu.memory_space<vmem_shared>>) offsets(%dma_start3A_96 : memref<80xi32, #tpu.memory_space<vmem>>) semaphore(%arg14 : memref<!tpu.dma_semaphore, #tpu.memory_space<semaphore_mem>>) {add = true}
    %dma_wait3A_100 = arith.constant 0 : i32
    %dma_wait3A_101 = tpu.memref_slice %arg7[%dma_wait3A_100] : memref<2000xi32, #tpu.memory_space<vmem>> -> memref<80xi32, #tpu.memory_space<vmem>>
    %dma_wait3A_102 = arith.constant 0 : i32
    %dma_wait3A_103 = arith.constant 0 : i32
    %dma_wait3A_104 = tpu.memref_slice %arg11[%dma_wait3A_102, %dma_wait3A_103] : memref<10240x144xf32, #tpu.memory_space<vmem_shared>> -> memref<10240x144xf32, #tpu.memory_space<vmem_shared>>
    tpu.wait_indirect_dma semaphore(%arg15 : memref<!tpu.dma_semaphore, #tpu.memory_space<semaphore_mem>>) src(%arg10 : memref<80x144xf32, #tpu.memory_space<vmem>>) dst(%dma_wait3A_104 : memref<10240x144xf32, #tpu.memory_space<vmem_shared>>)
    %dma_wait3A_105 = arith.constant 0 : i32
    %dma_wait3A_106 = tpu.memref_slice %arg7[%dma_wait3A_105] : memref<2000xi32, #tpu.memory_space<vmem>> -> memref<80xi32, #tpu.memory_space<vmem>>
    %dma_wait3A_107 = arith.constant 0 : i32
    %dma_wait3A_108 = arith.constant 0 : i32
    %dma_wait3A_109 = tpu.memref_slice %arg11[%dma_wait3A_107, %dma_wait3A_108] : memref<10240x144xf32, #tpu.memory_space<vmem_shared>> -> memref<10240x144xf32, #tpu.memory_space<vmem_shared>>
    tpu.wait_indirect_dma semaphore(%arg14 : memref<!tpu.dma_semaphore, #tpu.memory_space<semaphore_mem>>) src(%arg9 : memref<80x144xf32, #tpu.memory_space<vmem>>) dst(%dma_wait3A_109 : memref<10240x144xf32, #tpu.memory_space<vmem_shared>>)
    %add3A_110 = arith.constant 2000 : i32
    %add3A_111 = arith.addi %mul3A_2, %add3A_110 : i32
    %dma_wait3A_112 = tpu.memref_slice %arg3[%add3A_111] : memref<640000xi32, #tpu.memory_space<hbm>> -> memref<2000xi32, #tpu.memory_space<hbm>>
    %dma_wait3A_113 = tpu.memref_slice %arg3[%add3A_111] : memref<640000xi32, #tpu.memory_space<hbm>> -> memref<2000xi32, #tpu.memory_space<hbm>>
    tpu.wait_dma2 semaphore(%arg17 : memref<!tpu.dma_semaphore, #tpu.memory_space<semaphore_mem>>) src(%dma_wait3A_113 : memref<2000xi32, #tpu.memory_space<hbm>>) dst(%arg6 : memref<2000xi32, #tpu.memory_space<vmem>>)
    %add3A_114 = arith.constant 2000 : i32
    %add3A_115 = arith.addi %mul3A_2, %add3A_114 : i32
    %dma_wait3A_116 = tpu.memref_slice %arg3[%add3A_115] : memref<640000xi32, #tpu.memory_space<hbm>> -> memref<2000xi32, #tpu.memory_space<hbm>>
    %dma_wait3A_117 = tpu.memref_slice %arg3[%add3A_115] : memref<640000xi32, #tpu.memory_space<hbm>> -> memref<2000xi32, #tpu.memory_space<hbm>>
    tpu.wait_dma2 semaphore(%arg17 : memref<!tpu.dma_semaphore, #tpu.memory_space<semaphore_mem>>) src(%dma_wait3A_117 : memref<2000xi32, #tpu.memory_space<hbm>>) dst(%arg8 : memref<2000xi32, #tpu.memory_space<vmem>>)
    %add3A_118 = arith.constant 4000 : i32
    %add3A_119 = arith.addi %mul3A_2, %add3A_118 : i32
    %dma_start3A_120 = tpu.memref_slice %arg3[%add3A_119] : memref<640000xi32, #tpu.memory_space<hbm>> -> memref<2000xi32, #tpu.memory_space<hbm>>
    %dma_start3A_121 = tpu.memref_slice %arg3[%add3A_119] : memref<640000xi32, #tpu.memory_space<hbm>> -> memref<2000xi32, #tpu.memory_space<hbm>>
    tpu.enqueue_dma source(%dma_start3A_121 : memref<2000xi32, #tpu.memory_space<hbm>>) target(%arg5 : memref<2000xi32, #tpu.memory_space<vmem>>) target_semaphore(%arg16 : memref<!tpu.dma_semaphore, #tpu.memory_space<semaphore_mem>>)
    %add3A_122 = arith.constant 320000 : i32
    %add3A_123 = arith.addi %add3A_122, %mul3A_2 : i32
    %add3A_124 = arith.constant 4000 : i32
    %add3A_125 = arith.addi %add3A_123, %add3A_124 : i32
    %dma_start3A_126 = tpu.memref_slice %arg3[%add3A_125] : memref<640000xi32, #tpu.memory_space<hbm>> -> memref<2000xi32, #tpu.memory_space<hbm>>
    %dma_start3A_127 = tpu.memref_slice %arg3[%add3A_125] : memref<640000xi32, #tpu.memory_space<hbm>> -> memref<2000xi32, #tpu.memory_space<hbm>>
    tpu.enqueue_dma source(%dma_start3A_127 : memref<2000xi32, #tpu.memory_space<hbm>>) target(%arg7 : memref<2000xi32, #tpu.memory_space<vmem>>) target_semaphore(%arg16 : memref<!tpu.dma_semaphore, #tpu.memory_space<semaphore_mem>>)
    %dma_start3A_128 = arith.constant 0 : i32
    %dma_start3A_129 = tpu.memref_slice %arg6[%dma_start3A_128] : memref<2000xi32, #tpu.memory_space<vmem>> -> memref<80xi32, #tpu.memory_space<vmem>>
    %dma_start3A_130 = arith.constant 0 : i32
    %dma_start3A_131 = arith.constant 0 : i32
    %dma_start3A_132 = tpu.memref_slice %arg2[%dma_start3A_130, %dma_start3A_131] : memref<10000x144xf32, #tpu.memory_space<hbm>> -> memref<10000x144xf32, #tpu.memory_space<hbm>>
    tpu.enqueue_indirect_dma source(%dma_start3A_132 : memref<10000x144xf32, #tpu.memory_space<hbm>>) target(%arg9 : memref<80x144xf32, #tpu.memory_space<vmem>>) offsets(%dma_start3A_129 : memref<80xi32, #tpu.memory_space<vmem>>) semaphore(%arg12 : memref<!tpu.dma_semaphore, #tpu.memory_space<semaphore_mem>>)
    %dma_wait3A_133 = arith.constant 0 : i32
    %dma_wait3A_134 = tpu.memref_slice %arg5[%dma_wait3A_133] : memref<2000xi32, #tpu.memory_space<vmem>> -> memref<80xi32, #tpu.memory_space<vmem>>
    %dma_wait3A_135 = arith.constant 0 : i32
    %dma_wait3A_136 = arith.constant 0 : i32
    %dma_wait3A_137 = tpu.memref_slice %arg2[%dma_wait3A_135, %dma_wait3A_136] : memref<10000x144xf32, #tpu.memory_space<hbm>> -> memref<10000x144xf32, #tpu.memory_space<hbm>>
    tpu.wait_indirect_dma semaphore(%arg12 : memref<!tpu.dma_semaphore, #tpu.memory_space<semaphore_mem>>) src(%dma_wait3A_137 : memref<10000x144xf32, #tpu.memory_space<hbm>>) dst(%arg9 : memref<80x144xf32, #tpu.memory_space<vmem>>)
    %dma_start3A_138 = arith.constant 0 : i32
    %dma_start3A_139 = tpu.memref_slice %arg8[%dma_start3A_138] : memref<2000xi32, #tpu.memory_space<vmem>> -> memref<80xi32, #tpu.memory_space<vmem>>
    %dma_start3A_140 = arith.constant 0 : i32
    %dma_start3A_141 = arith.constant 0 : i32
    %dma_start3A_142 = tpu.memref_slice %arg11[%dma_start3A_140, %dma_start3A_141] : memref<10240x144xf32, #tpu.memory_space<vmem_shared>> -> memref<10240x144xf32, #tpu.memory_space<vmem_shared>>
    tpu.enqueue_indirect_dma source(%arg9 : memref<80x144xf32, #tpu.memory_space<vmem>>) target(%dma_start3A_142 : memref<10240x144xf32, #tpu.memory_space<vmem_shared>>) offsets(%dma_start3A_139 : memref<80xi32, #tpu.memory_space<vmem>>) semaphore(%arg14 : memref<!tpu.dma_semaphore, #tpu.memory_space<semaphore_mem>>) {add = true}
    %dma_start3A_143 = arith.constant 80 : i32
    %dma_start3A_144 = tpu.memref_slice %arg6[%dma_start3A_143] : memref<2000xi32, #tpu.memory_space<vmem>> -> memref<80xi32, #tpu.memory_space<vmem>>
    %dma_start3A_145 = arith.constant 0 : i32
    %dma_start3A_146 = arith.constant 0 : i32
    %dma_start3A_147 = tpu.memref_slice %arg2[%dma_start3A_145, %dma_start3A_146] : memref<10000x144xf32, #tpu.memory_space<hbm>> -> memref<10000x144xf32, #tpu.memory_space<hbm>>
    tpu.enqueue_indirect_dma source(%dma_start3A_147 : memref<10000x144xf32, #tpu.memory_space<hbm>>) target(%arg10 : memref<80x144xf32, #tpu.memory_space<vmem>>) offsets(%dma_start3A_144 : memref<80xi32, #tpu.memory_space<vmem>>) semaphore(%arg13 : memref<!tpu.dma_semaphore, #tpu.memory_space<semaphore_mem>>)
    %scan3A_148 = arith.constant 0 : i32
    %scan3A_149 = arith.constant 11 : i32
    %scan3A_150 = arith.addi %scan3A_148, %scan3A_149 : i32
    %scan3A_151 = arith.constant 1 : i32
    scf.for %scan3A_438 = %scan3A_148 to %scan3A_150 step %scan3A_151  : i32 {
      %mul3A_439 = arith.constant 1 : i32
      %mul3A_440 = arith.muli %scan3A_438, %mul3A_439 : i32
      %add3A_441 = arith.constant 0 : i32
      %add3A_442 = arith.addi %add3A_441, %mul3A_440 : i32
      %mul3A_443 = arith.constant 2 : i32
      %mul3A_444 = arith.muli %add3A_442, %mul3A_443 : i32
      %add3A_445 = arith.constant 1 : i32
      %add3A_446 = arith.addi %add3A_445, %mul3A_444 : i32
      %dma_wait3A_447 = arith.constant 0 : i32
      %dma_wait3A_448 = tpu.memref_slice %arg5[%dma_wait3A_447] : memref<2000xi32, #tpu.memory_space<vmem>> -> memref<80xi32, #tpu.memory_space<vmem>>
      %dma_wait3A_449 = arith.constant 0 : i32
      %dma_wait3A_450 = arith.constant 0 : i32
      %dma_wait3A_451 = tpu.memref_slice %arg2[%dma_wait3A_449, %dma_wait3A_450] : memref<10000x144xf32, #tpu.memory_space<hbm>> -> memref<10000x144xf32, #tpu.memory_space<hbm>>
      tpu.wait_indirect_dma semaphore(%arg13 : memref<!tpu.dma_semaphore, #tpu.memory_space<semaphore_mem>>) src(%dma_wait3A_451 : memref<10000x144xf32, #tpu.memory_space<hbm>>) dst(%arg10 : memref<80x144xf32, #tpu.memory_space<vmem>>)
      %mul3A_452 = arith.constant 80 : i32
      %mul3A_453 = arith.muli %add3A_446, %mul3A_452 : i32
      %dma_start3A_454 = tpu.memref_slice %arg8[%mul3A_453] : memref<2000xi32, #tpu.memory_space<vmem>> -> memref<80xi32, #tpu.memory_space<vmem>>
      %dma_start3A_455 = arith.constant 0 : i32
      %dma_start3A_456 = arith.constant 0 : i32
      %dma_start3A_457 = tpu.memref_slice %arg11[%dma_start3A_455, %dma_start3A_456] : memref<10240x144xf32, #tpu.memory_space<vmem_shared>> -> memref<10240x144xf32, #tpu.memory_space<vmem_shared>>
      tpu.enqueue_indirect_dma source(%arg10 : memref<80x144xf32, #tpu.memory_space<vmem>>) target(%dma_start3A_457 : memref<10240x144xf32, #tpu.memory_space<vmem_shared>>) offsets(%dma_start3A_454 : memref<80xi32, #tpu.memory_space<vmem>>) semaphore(%arg15 : memref<!tpu.dma_semaphore, #tpu.memory_space<semaphore_mem>>) {add = true}
      %dma_wait3A_458 = arith.constant 0 : i32
      %dma_wait3A_459 = tpu.memref_slice %arg7[%dma_wait3A_458] : memref<2000xi32, #tpu.memory_space<vmem>> -> memref<80xi32, #tpu.memory_space<vmem>>
      %dma_wait3A_460 = arith.constant 0 : i32
      %dma_wait3A_461 = arith.constant 0 : i32
      %dma_wait3A_462 = tpu.memref_slice %arg11[%dma_wait3A_460, %dma_wait3A_461] : memref<10240x144xf32, #tpu.memory_space<vmem_shared>> -> memref<10240x144xf32, #tpu.memory_space<vmem_shared>>
      tpu.wait_indirect_dma semaphore(%arg14 : memref<!tpu.dma_semaphore, #tpu.memory_space<semaphore_mem>>) src(%arg9 : memref<80x144xf32, #tpu.memory_space<vmem>>) dst(%dma_wait3A_462 : memref<10240x144xf32, #tpu.memory_space<vmem_shared>>)
      %add3A_463 = arith.constant 1 : i32
      %add3A_464 = arith.addi %add3A_446, %add3A_463 : i32
      %mul3A_465 = arith.constant 80 : i32
      %mul3A_466 = arith.muli %add3A_464, %mul3A_465 : i32
      %dma_start3A_467 = tpu.memref_slice %arg6[%mul3A_466] : memref<2000xi32, #tpu.memory_space<vmem>> -> memref<80xi32, #tpu.memory_space<vmem>>
      %dma_start3A_468 = arith.constant 0 : i32
      %dma_start3A_469 = arith.constant 0 : i32
      %dma_start3A_470 = tpu.memref_slice %arg2[%dma_start3A_468, %dma_start3A_469] : memref<10000x144xf32, #tpu.memory_space<hbm>> -> memref<10000x144xf32, #tpu.memory_space<hbm>>
      tpu.enqueue_indirect_dma source(%dma_start3A_470 : memref<10000x144xf32, #tpu.memory_space<hbm>>) target(%arg9 : memref<80x144xf32, #tpu.memory_space<vmem>>) offsets(%dma_start3A_467 : memref<80xi32, #tpu.memory_space<vmem>>) semaphore(%arg12 : memref<!tpu.dma_semaphore, #tpu.memory_space<semaphore_mem>>)
      %dma_wait3A_471 = arith.constant 0 : i32
      %dma_wait3A_472 = tpu.memref_slice %arg5[%dma_wait3A_471] : memref<2000xi32, #tpu.memory_space<vmem>> -> memref<80xi32, #tpu.memory_space<vmem>>
      %dma_wait3A_473 = arith.constant 0 : i32
      %dma_wait3A_474 = arith.constant 0 : i32
      %dma_wait3A_475 = tpu.memref_slice %arg2[%dma_wait3A_473, %dma_wait3A_474] : memref<10000x144xf32, #tpu.memory_space<hbm>> -> memref<10000x144xf32, #tpu.memory_space<hbm>>
      tpu.wait_indirect_dma semaphore(%arg12 : memref<!tpu.dma_semaphore, #tpu.memory_space<semaphore_mem>>) src(%dma_wait3A_475 : memref<10000x144xf32, #tpu.memory_space<hbm>>) dst(%arg9 : memref<80x144xf32, #tpu.memory_space<vmem>>)
      %add3A_476 = arith.constant 1 : i32
      %add3A_477 = arith.addi %add3A_446, %add3A_476 : i32
      %mul3A_478 = arith.constant 80 : i32
      %mul3A_479 = arith.muli %add3A_477, %mul3A_478 : i32
      %dma_start3A_480 = tpu.memref_slice %arg8[%mul3A_479] : memref<2000xi32, #tpu.memory_space<vmem>> -> memref<80xi32, #tpu.memory_space<vmem>>
      %dma_start3A_481 = arith.constant 0 : i32
      %dma_start3A_482 = arith.constant 0 : i32
      %dma_start3A_483 = tpu.memref_slice %arg11[%dma_start3A_481, %dma_start3A_482] : memref<10240x144xf32, #tpu.memory_space<vmem_shared>> -> memref<10240x144xf32, #tpu.memory_space<vmem_shared>>
      tpu.enqueue_indirect_dma source(%arg9 : memref<80x144xf32, #tpu.memory_space<vmem>>) target(%dma_start3A_483 : memref<10240x144xf32, #tpu.memory_space<vmem_shared>>) offsets(%dma_start3A_480 : memref<80xi32, #tpu.memory_space<vmem>>) semaphore(%arg14 : memref<!tpu.dma_semaphore, #tpu.memory_space<semaphore_mem>>) {add = true}
      %dma_wait3A_484 = arith.constant 0 : i32
      %dma_wait3A_485 = tpu.memref_slice %arg7[%dma_wait3A_484] : memref<2000xi32, #tpu.memory_space<vmem>> -> memref<80xi32, #tpu.memory_space<vmem>>
      %dma_wait3A_486 = arith.constant 0 : i32
      %dma_wait3A_487 = arith.constant 0 : i32
      %dma_wait3A_488 = tpu.memref_slice %arg11[%dma_wait3A_486, %dma_wait3A_487] : memref<10240x144xf32, #tpu.memory_space<vmem_shared>> -> memref<10240x144xf32, #tpu.memory_space<vmem_shared>>
      tpu.wait_indirect_dma semaphore(%arg15 : memref<!tpu.dma_semaphore, #tpu.memory_space<semaphore_mem>>) src(%arg10 : memref<80x144xf32, #tpu.memory_space<vmem>>) dst(%dma_wait3A_488 : memref<10240x144xf32, #tpu.memory_space<vmem_shared>>)
      %add3A_489 = arith.constant 2 : i32
      %add3A_490 = arith.addi %add3A_446, %add3A_489 : i32
      %mul3A_491 = arith.constant 80 : i32
      %mul3A_492 = arith.muli %add3A_490, %mul3A_491 : i32
      %dma_start3A_493 = tpu.memref_slice %arg6[%mul3A_492] : memref<2000xi32, #tpu.memory_space<vmem>> -> memref<80xi32, #tpu.memory_space<vmem>>
      %dma_start3A_494 = arith.constant 0 : i32
      %dma_start3A_495 = arith.constant 0 : i32
      %dma_start3A_496 = tpu.memref_slice %arg2[%dma_start3A_494, %dma_start3A_495] : memref<10000x144xf32, #tpu.memory_space<hbm>> -> memref<10000x144xf32, #tpu.memory_space<hbm>>
      tpu.enqueue_indirect_dma source(%dma_start3A_496 : memref<10000x144xf32, #tpu.memory_space<hbm>>) target(%arg10 : memref<80x144xf32, #tpu.memory_space<vmem>>) offsets(%dma_start3A_493 : memref<80xi32, #tpu.memory_space<vmem>>) semaphore(%arg13 : memref<!tpu.dma_semaphore, #tpu.memory_space<semaphore_mem>>)
    }
    %scan3A_152 = arith.constant 11 : i32
    %dma_wait3A_153 = arith.constant 0 : i32
    %dma_wait3A_154 = tpu.memref_slice %arg5[%dma_wait3A_153] : memref<2000xi32, #tpu.memory_space<vmem>> -> memref<80xi32, #tpu.memory_space<vmem>>
    %dma_wait3A_155 = arith.constant 0 : i32
    %dma_wait3A_156 = arith.constant 0 : i32
    %dma_wait3A_157 = tpu.memref_slice %arg2[%dma_wait3A_155, %dma_wait3A_156] : memref<10000x144xf32, #tpu.memory_space<hbm>> -> memref<10000x144xf32, #tpu.memory_space<hbm>>
    tpu.wait_indirect_dma semaphore(%arg13 : memref<!tpu.dma_semaphore, #tpu.memory_space<semaphore_mem>>) src(%dma_wait3A_157 : memref<10000x144xf32, #tpu.memory_space<hbm>>) dst(%arg10 : memref<80x144xf32, #tpu.memory_space<vmem>>)
    %dma_start3A_158 = arith.constant 1840 : i32
    %dma_start3A_159 = tpu.memref_slice %arg8[%dma_start3A_158] : memref<2000xi32, #tpu.memory_space<vmem>> -> memref<80xi32, #tpu.memory_space<vmem>>
    %dma_start3A_160 = arith.constant 0 : i32
    %dma_start3A_161 = arith.constant 0 : i32
    %dma_start3A_162 = tpu.memref_slice %arg11[%dma_start3A_160, %dma_start3A_161] : memref<10240x144xf32, #tpu.memory_space<vmem_shared>> -> memref<10240x144xf32, #tpu.memory_space<vmem_shared>>
    tpu.enqueue_indirect_dma source(%arg10 : memref<80x144xf32, #tpu.memory_space<vmem>>) target(%dma_start3A_162 : memref<10240x144xf32, #tpu.memory_space<vmem_shared>>) offsets(%dma_start3A_159 : memref<80xi32, #tpu.memory_space<vmem>>) semaphore(%arg15 : memref<!tpu.dma_semaphore, #tpu.memory_space<semaphore_mem>>) {add = true}
    %dma_wait3A_163 = arith.constant 0 : i32
    %dma_wait3A_164 = tpu.memref_slice %arg7[%dma_wait3A_163] : memref<2000xi32, #tpu.memory_space<vmem>> -> memref<80xi32, #tpu.memory_space<vmem>>
    %dma_wait3A_165 = arith.constant 0 : i32
    %dma_wait3A_166 = arith.constant 0 : i32
    %dma_wait3A_167 = tpu.memref_slice %arg11[%dma_wait3A_165, %dma_wait3A_166] : memref<10240x144xf32, #tpu.memory_space<vmem_shared>> -> memref<10240x144xf32, #tpu.memory_space<vmem_shared>>
    tpu.wait_indirect_dma semaphore(%arg14 : memref<!tpu.dma_semaphore, #tpu.memory_space<semaphore_mem>>) src(%arg9 : memref<80x144xf32, #tpu.memory_space<vmem>>) dst(%dma_wait3A_167 : memref<10240x144xf32, #tpu.memory_space<vmem_shared>>)
    %dma_start3A_168 = arith.constant 1920 : i32
    %dma_start3A_169 = tpu.memref_slice %arg6[%dma_start3A_168] : memref<2000xi32, #tpu.memory_space<vmem>> -> memref<80xi32, #tpu.memory_space<vmem>>
    %dma_start3A_170 = arith.constant 0 : i32
    %dma_start3A_171 = arith.constant 0 : i32
    %dma_start3A_172 = tpu.memref_slice %arg2[%dma_start3A_170, %dma_start3A_171] : memref<10000x144xf32, #tpu.memory_space<hbm>> -> memref<10000x144xf32, #tpu.memory_space<hbm>>
    tpu.enqueue_indirect_dma source(%dma_start3A_172 : memref<10000x144xf32, #tpu.memory_space<hbm>>) target(%arg9 : memref<80x144xf32, #tpu.memory_space<vmem>>) offsets(%dma_start3A_169 : memref<80xi32, #tpu.memory_space<vmem>>) semaphore(%arg12 : memref<!tpu.dma_semaphore, #tpu.memory_space<semaphore_mem>>)
    %dma_wait3A_173 = arith.constant 0 : i32
    %dma_wait3A_174 = tpu.memref_slice %arg5[%dma_wait3A_173] : memref<2000xi32, #tpu.memory_space<vmem>> -> memref<80xi32, #tpu.memory_space<vmem>>
    %dma_wait3A_175 = arith.constant 0 : i32
    %dma_wait3A_176 = arith.constant 0 : i32
    %dma_wait3A_177 = tpu.memref_slice %arg2[%dma_wait3A_175, %dma_wait3A_176] : memref<10000x144xf32, #tpu.memory_space<hbm>> -> memref<10000x144xf32, #tpu.memory_space<hbm>>
    tpu.wait_indirect_dma semaphore(%arg12 : memref<!tpu.dma_semaphore, #tpu.memory_space<semaphore_mem>>) src(%dma_wait3A_177 : memref<10000x144xf32, #tpu.memory_space<hbm>>) dst(%arg9 : memref<80x144xf32, #tpu.memory_space<vmem>>)
    %dma_start3A_178 = arith.constant 1920 : i32
    %dma_start3A_179 = tpu.memref_slice %arg8[%dma_start3A_178] : memref<2000xi32, #tpu.memory_space<vmem>> -> memref<80xi32, #tpu.memory_space<vmem>>
    %dma_start3A_180 = arith.constant 0 : i32
    %dma_start3A_181 = arith.constant 0 : i32
    %dma_start3A_182 = tpu.memref_slice %arg11[%dma_start3A_180, %dma_start3A_181] : memref<10240x144xf32, #tpu.memory_space<vmem_shared>> -> memref<10240x144xf32, #tpu.memory_space<vmem_shared>>
    tpu.enqueue_indirect_dma source(%arg9 : memref<80x144xf32, #tpu.memory_space<vmem>>) target(%dma_start3A_182 : memref<10240x144xf32, #tpu.memory_space<vmem_shared>>) offsets(%dma_start3A_179 : memref<80xi32, #tpu.memory_space<vmem>>) semaphore(%arg14 : memref<!tpu.dma_semaphore, #tpu.memory_space<semaphore_mem>>) {add = true}
    %dma_wait3A_183 = arith.constant 0 : i32
    %dma_wait3A_184 = tpu.memref_slice %arg7[%dma_wait3A_183] : memref<2000xi32, #tpu.memory_space<vmem>> -> memref<80xi32, #tpu.memory_space<vmem>>
    %dma_wait3A_185 = arith.constant 0 : i32
    %dma_wait3A_186 = arith.constant 0 : i32
    %dma_wait3A_187 = tpu.memref_slice %arg11[%dma_wait3A_185, %dma_wait3A_186] : memref<10240x144xf32, #tpu.memory_space<vmem_shared>> -> memref<10240x144xf32, #tpu.memory_space<vmem_shared>>
    tpu.wait_indirect_dma semaphore(%arg15 : memref<!tpu.dma_semaphore, #tpu.memory_space<semaphore_mem>>) src(%arg10 : memref<80x144xf32, #tpu.memory_space<vmem>>) dst(%dma_wait3A_187 : memref<10240x144xf32, #tpu.memory_space<vmem_shared>>)
    %dma_wait3A_188 = arith.constant 0 : i32
    %dma_wait3A_189 = tpu.memref_slice %arg7[%dma_wait3A_188] : memref<2000xi32, #tpu.memory_space<vmem>> -> memref<80xi32, #tpu.memory_space<vmem>>
    %dma_wait3A_190 = arith.constant 0 : i32
    %dma_wait3A_191 = arith.constant 0 : i32
    %dma_wait3A_192 = tpu.memref_slice %arg11[%dma_wait3A_190, %dma_wait3A_191] : memref<10240x144xf32, #tpu.memory_space<vmem_shared>> -> memref<10240x144xf32, #tpu.memory_space<vmem_shared>>
    tpu.wait_indirect_dma semaphore(%arg14 : memref<!tpu.dma_semaphore, #tpu.memory_space<semaphore_mem>>) src(%arg9 : memref<80x144xf32, #tpu.memory_space<vmem>>) dst(%dma_wait3A_192 : memref<10240x144xf32, #tpu.memory_space<vmem_shared>>)
    %add3A_193 = arith.constant 4000 : i32
    %add3A_194 = arith.addi %mul3A_2, %add3A_193 : i32
    %dma_wait3A_195 = tpu.memref_slice %arg3[%add3A_194] : memref<640000xi32, #tpu.memory_space<hbm>> -> memref<2000xi32, #tpu.memory_space<hbm>>
    %dma_wait3A_196 = tpu.memref_slice %arg3[%add3A_194] : memref<640000xi32, #tpu.memory_space<hbm>> -> memref<2000xi32, #tpu.memory_space<hbm>>
    tpu.wait_dma2 semaphore(%arg16 : memref<!tpu.dma_semaphore, #tpu.memory_space<semaphore_mem>>) src(%dma_wait3A_196 : memref<2000xi32, #tpu.memory_space<hbm>>) dst(%arg5 : memref<2000xi32, #tpu.memory_space<vmem>>)
    %add3A_197 = arith.constant 4000 : i32
    %add3A_198 = arith.addi %mul3A_2, %add3A_197 : i32
    %dma_wait3A_199 = tpu.memref_slice %arg3[%add3A_198] : memref<640000xi32, #tpu.memory_space<hbm>> -> memref<2000xi32, #tpu.memory_space<hbm>>
    %dma_wait3A_200 = tpu.memref_slice %arg3[%add3A_198] : memref<640000xi32, #tpu.memory_space<hbm>> -> memref<2000xi32, #tpu.memory_space<hbm>>
    tpu.wait_dma2 semaphore(%arg16 : memref<!tpu.dma_semaphore, #tpu.memory_space<semaphore_mem>>) src(%dma_wait3A_200 : memref<2000xi32, #tpu.memory_space<hbm>>) dst(%arg7 : memref<2000xi32, #tpu.memory_space<vmem>>)
    %add3A_201 = arith.constant 6000 : i32
    %add3A_202 = arith.addi %mul3A_2, %add3A_201 : i32
    %dma_start3A_203 = tpu.memref_slice %arg3[%add3A_202] : memref<640000xi32, #tpu.memory_space<hbm>> -> memref<2000xi32, #tpu.memory_space<hbm>>
    %dma_start3A_204 = tpu.memref_slice %arg3[%add3A_202] : memref<640000xi32, #tpu.memory_space<hbm>> -> memref<2000xi32, #tpu.memory_space<hbm>>
    tpu.enqueue_dma source(%dma_start3A_204 : memref<2000xi32, #tpu.memory_space<hbm>>) target(%arg6 : memref<2000xi32, #tpu.memory_space<vmem>>) target_semaphore(%arg17 : memref<!tpu.dma_semaphore, #tpu.memory_space<semaphore_mem>>)
    %add3A_205 = arith.constant 320000 : i32
    %add3A_206 = arith.addi %add3A_205, %mul3A_2 : i32
    %add3A_207 = arith.constant 6000 : i32
    %add3A_208 = arith.addi %add3A_206, %add3A_207 : i32
    %dma_start3A_209 = tpu.memref_slice %arg3[%add3A_208] : memref<640000xi32, #tpu.memory_space<hbm>> -> memref<2000xi32, #tpu.memory_space<hbm>>
    %dma_start3A_210 = tpu.memref_slice %arg3[%add3A_208] : memref<640000xi32, #tpu.memory_space<hbm>> -> memref<2000xi32, #tpu.memory_space<hbm>>
    tpu.enqueue_dma source(%dma_start3A_210 : memref<2000xi32, #tpu.memory_space<hbm>>) target(%arg8 : memref<2000xi32, #tpu.memory_space<vmem>>) target_semaphore(%arg17 : memref<!tpu.dma_semaphore, #tpu.memory_space<semaphore_mem>>)
    %dma_start3A_211 = arith.constant 0 : i32
    %dma_start3A_212 = tpu.memref_slice %arg5[%dma_start3A_211] : memref<2000xi32, #tpu.memory_space<vmem>> -> memref<80xi32, #tpu.memory_space<vmem>>
    %dma_start3A_213 = arith.constant 0 : i32
    %dma_start3A_214 = arith.constant 0 : i32
    %dma_start3A_215 = tpu.memref_slice %arg2[%dma_start3A_213, %dma_start3A_214] : memref<10000x144xf32, #tpu.memory_space<hbm>> -> memref<10000x144xf32, #tpu.memory_space<hbm>>
    tpu.enqueue_indirect_dma source(%dma_start3A_215 : memref<10000x144xf32, #tpu.memory_space<hbm>>) target(%arg9 : memref<80x144xf32, #tpu.memory_space<vmem>>) offsets(%dma_start3A_212 : memref<80xi32, #tpu.memory_space<vmem>>) semaphore(%arg12 : memref<!tpu.dma_semaphore, #tpu.memory_space<semaphore_mem>>)
    %dma_wait3A_216 = arith.constant 0 : i32
    %dma_wait3A_217 = tpu.memref_slice %arg5[%dma_wait3A_216] : memref<2000xi32, #tpu.memory_space<vmem>> -> memref<80xi32, #tpu.memory_space<vmem>>
    %dma_wait3A_218 = arith.constant 0 : i32
    %dma_wait3A_219 = arith.constant 0 : i32
    %dma_wait3A_220 = tpu.memref_slice %arg2[%dma_wait3A_218, %dma_wait3A_219] : memref<10000x144xf32, #tpu.memory_space<hbm>> -> memref<10000x144xf32, #tpu.memory_space<hbm>>
    tpu.wait_indirect_dma semaphore(%arg12 : memref<!tpu.dma_semaphore, #tpu.memory_space<semaphore_mem>>) src(%dma_wait3A_220 : memref<10000x144xf32, #tpu.memory_space<hbm>>) dst(%arg9 : memref<80x144xf32, #tpu.memory_space<vmem>>)
    %dma_start3A_221 = arith.constant 0 : i32
    %dma_start3A_222 = tpu.memref_slice %arg7[%dma_start3A_221] : memref<2000xi32, #tpu.memory_space<vmem>> -> memref<80xi32, #tpu.memory_space<vmem>>
    %dma_start3A_223 = arith.constant 0 : i32
    %dma_start3A_224 = arith.constant 0 : i32
    %dma_start3A_225 = tpu.memref_slice %arg11[%dma_start3A_223, %dma_start3A_224] : memref<10240x144xf32, #tpu.memory_space<vmem_shared>> -> memref<10240x144xf32, #tpu.memory_space<vmem_shared>>
    tpu.enqueue_indirect_dma source(%arg9 : memref<80x144xf32, #tpu.memory_space<vmem>>) target(%dma_start3A_225 : memref<10240x144xf32, #tpu.memory_space<vmem_shared>>) offsets(%dma_start3A_222 : memref<80xi32, #tpu.memory_space<vmem>>) semaphore(%arg14 : memref<!tpu.dma_semaphore, #tpu.memory_space<semaphore_mem>>) {add = true}
    %dma_start3A_226 = arith.constant 80 : i32
    %dma_start3A_227 = tpu.memref_slice %arg5[%dma_start3A_226] : memref<2000xi32, #tpu.memory_space<vmem>> -> memref<80xi32, #tpu.memory_space<vmem>>
    %dma_start3A_228 = arith.constant 0 : i32
    %dma_start3A_229 = arith.constant 0 : i32
    %dma_start3A_230 = tpu.memref_slice %arg2[%dma_start3A_228, %dma_start3A_229] : memref<10000x144xf32, #tpu.memory_space<hbm>> -> memref<10000x144xf32, #tpu.memory_space<hbm>>
    tpu.enqueue_indirect_dma source(%dma_start3A_230 : memref<10000x144xf32, #tpu.memory_space<hbm>>) target(%arg10 : memref<80x144xf32, #tpu.memory_space<vmem>>) offsets(%dma_start3A_227 : memref<80xi32, #tpu.memory_space<vmem>>) semaphore(%arg13 : memref<!tpu.dma_semaphore, #tpu.memory_space<semaphore_mem>>)
    %scan3A_231 = arith.constant 0 : i32
    %scan3A_232 = arith.constant 11 : i32
    %scan3A_233 = arith.addi %scan3A_231, %scan3A_232 : i32
    %scan3A_234 = arith.constant 1 : i32
    scf.for %scan3A_438 = %scan3A_231 to %scan3A_233 step %scan3A_234  : i32 {
      %mul3A_439 = arith.constant 1 : i32
      %mul3A_440 = arith.muli %scan3A_438, %mul3A_439 : i32
      %add3A_441 = arith.constant 0 : i32
      %add3A_442 = arith.addi %add3A_441, %mul3A_440 : i32
      %mul3A_443 = arith.constant 2 : i32
      %mul3A_444 = arith.muli %add3A_442, %mul3A_443 : i32
      %add3A_445 = arith.constant 1 : i32
      %add3A_446 = arith.addi %add3A_445, %mul3A_444 : i32
      %dma_wait3A_447 = arith.constant 0 : i32
      %dma_wait3A_448 = tpu.memref_slice %arg5[%dma_wait3A_447] : memref<2000xi32, #tpu.memory_space<vmem>> -> memref<80xi32, #tpu.memory_space<vmem>>
      %dma_wait3A_449 = arith.constant 0 : i32
      %dma_wait3A_450 = arith.constant 0 : i32
      %dma_wait3A_451 = tpu.memref_slice %arg2[%dma_wait3A_449, %dma_wait3A_450] : memref<10000x144xf32, #tpu.memory_space<hbm>> -> memref<10000x144xf32, #tpu.memory_space<hbm>>
      tpu.wait_indirect_dma semaphore(%arg13 : memref<!tpu.dma_semaphore, #tpu.memory_space<semaphore_mem>>) src(%dma_wait3A_451 : memref<10000x144xf32, #tpu.memory_space<hbm>>) dst(%arg10 : memref<80x144xf32, #tpu.memory_space<vmem>>)
      %mul3A_452 = arith.constant 80 : i32
      %mul3A_453 = arith.muli %add3A_446, %mul3A_452 : i32
      %dma_start3A_454 = tpu.memref_slice %arg7[%mul3A_453] : memref<2000xi32, #tpu.memory_space<vmem>> -> memref<80xi32, #tpu.memory_space<vmem>>
      %dma_start3A_455 = arith.constant 0 : i32
      %dma_start3A_456 = arith.constant 0 : i32
      %dma_start3A_457 = tpu.memref_slice %arg11[%dma_start3A_455, %dma_start3A_456] : memref<10240x144xf32, #tpu.memory_space<vmem_shared>> -> memref<10240x144xf32, #tpu.memory_space<vmem_shared>>
      tpu.enqueue_indirect_dma source(%arg10 : memref<80x144xf32, #tpu.memory_space<vmem>>) target(%dma_start3A_457 : memref<10240x144xf32, #tpu.memory_space<vmem_shared>>) offsets(%dma_start3A_454 : memref<80xi32, #tpu.memory_space<vmem>>) semaphore(%arg15 : memref<!tpu.dma_semaphore, #tpu.memory_space<semaphore_mem>>) {add = true}
      %dma_wait3A_458 = arith.constant 0 : i32
      %dma_wait3A_459 = tpu.memref_slice %arg7[%dma_wait3A_458] : memref<2000xi32, #tpu.memory_space<vmem>> -> memref<80xi32, #tpu.memory_space<vmem>>
      %dma_wait3A_460 = arith.constant 0 : i32
      %dma_wait3A_461 = arith.constant 0 : i32
      %dma_wait3A_462 = tpu.memref_slice %arg11[%dma_wait3A_460, %dma_wait3A_461] : memref<10240x144xf32, #tpu.memory_space<vmem_shared>> -> memref<10240x144xf32, #tpu.memory_space<vmem_shared>>
      tpu.wait_indirect_dma semaphore(%arg14 : memref<!tpu.dma_semaphore, #tpu.memory_space<semaphore_mem>>) src(%arg9 : memref<80x144xf32, #tpu.memory_space<vmem>>) dst(%dma_wait3A_462 : memref<10240x144xf32, #tpu.memory_space<vmem_shared>>)
      %add3A_463 = arith.constant 1 : i32
      %add3A_464 = arith.addi %add3A_446, %add3A_463 : i32
      %mul3A_465 = arith.constant 80 : i32
      %mul3A_466 = arith.muli %add3A_464, %mul3A_465 : i32
      %dma_start3A_467 = tpu.memref_slice %arg5[%mul3A_466] : memref<2000xi32, #tpu.memory_space<vmem>> -> memref<80xi32, #tpu.memory_space<vmem>>
      %dma_start3A_468 = arith.constant 0 : i32
      %dma_start3A_469 = arith.constant 0 : i32
      %dma_start3A_470 = tpu.memref_slice %arg2[%dma_start3A_468, %dma_start3A_469] : memref<10000x144xf32, #tpu.memory_space<hbm>> -> memref<10000x144xf32, #tpu.memory_space<hbm>>
      tpu.enqueue_indirect_dma source(%dma_start3A_470 : memref<10000x144xf32, #tpu.memory_space<hbm>>) target(%arg9 : memref<80x144xf32, #tpu.memory_space<vmem>>) offsets(%dma_start3A_467 : memref<80xi32, #tpu.memory_space<vmem>>) semaphore(%arg12 : memref<!tpu.dma_semaphore, #tpu.memory_space<semaphore_mem>>)
      %dma_wait3A_471 = arith.constant 0 : i32
      %dma_wait3A_472 = tpu.memref_slice %arg5[%dma_wait3A_471] : memref<2000xi32, #tpu.memory_space<vmem>> -> memref<80xi32, #tpu.memory_space<vmem>>
      %dma_wait3A_473 = arith.constant 0 : i32
      %dma_wait3A_474 = arith.constant 0 : i32
      %dma_wait3A_475 = tpu.memref_slice %arg2[%dma_wait3A_473, %dma_wait3A_474] : memref<10000x144xf32, #tpu.memory_space<hbm>> -> memref<10000x144xf32, #tpu.memory_space<hbm>>
      tpu.wait_indirect_dma semaphore(%arg12 : memref<!tpu.dma_semaphore, #tpu.memory_space<semaphore_mem>>) src(%dma_wait3A_475 : memref<10000x144xf32, #tpu.memory_space<hbm>>) dst(%arg9 : memref<80x144xf32, #tpu.memory_space<vmem>>)
      %add3A_476 = arith.constant 1 : i32
      %add3A_477 = arith.addi %add3A_446, %add3A_476 : i32
      %mul3A_478 = arith.constant 80 : i32
      %mul3A_479 = arith.muli %add3A_477, %mul3A_478 : i32
      %dma_start3A_480 = tpu.memref_slice %arg7[%mul3A_479] : memref<2000xi32, #tpu.memory_space<vmem>> -> memref<80xi32, #tpu.memory_space<vmem>>
      %dma_start3A_481 = arith.constant 0 : i32
      %dma_start3A_482 = arith.constant 0 : i32
      %dma_start3A_483 = tpu.memref_slice %arg11[%dma_start3A_481, %dma_start3A_482] : memref<10240x144xf32, #tpu.memory_space<vmem_shared>> -> memref<10240x144xf32, #tpu.memory_space<vmem_shared>>
      tpu.enqueue_indirect_dma source(%arg9 : memref<80x144xf32, #tpu.memory_space<vmem>>) target(%dma_start3A_483 : memref<10240x144xf32, #tpu.memory_space<vmem_shared>>) offsets(%dma_start3A_480 : memref<80xi32, #tpu.memory_space<vmem>>) semaphore(%arg14 : memref<!tpu.dma_semaphore, #tpu.memory_space<semaphore_mem>>) {add = true}
      %dma_wait3A_484 = arith.constant 0 : i32
      %dma_wait3A_485 = tpu.memref_slice %arg7[%dma_wait3A_484] : memref<2000xi32, #tpu.memory_space<vmem>> -> memref<80xi32, #tpu.memory_space<vmem>>
      %dma_wait3A_486 = arith.constant 0 : i32
      %dma_wait3A_487 = arith.constant 0 : i32
      %dma_wait3A_488 = tpu.memref_slice %arg11[%dma_wait3A_486, %dma_wait3A_487] : memref<10240x144xf32, #tpu.memory_space<vmem_shared>> -> memref<10240x144xf32, #tpu.memory_space<vmem_shared>>
      tpu.wait_indirect_dma semaphore(%arg15 : memref<!tpu.dma_semaphore, #tpu.memory_space<semaphore_mem>>) src(%arg10 : memref<80x144xf32, #tpu.memory_space<vmem>>) dst(%dma_wait3A_488 : memref<10240x144xf32, #tpu.memory_space<vmem_shared>>)
      %add3A_489 = arith.constant 2 : i32
      %add3A_490 = arith.addi %add3A_446, %add3A_489 : i32
      %mul3A_491 = arith.constant 80 : i32
      %mul3A_492 = arith.muli %add3A_490, %mul3A_491 : i32
      %dma_start3A_493 = tpu.memref_slice %arg5[%mul3A_492] : memref<2000xi32, #tpu.memory_space<vmem>> -> memref<80xi32, #tpu.memory_space<vmem>>
      %dma_start3A_494 = arith.constant 0 : i32
      %dma_start3A_495 = arith.constant 0 : i32
      %dma_start3A_496 = tpu.memref_slice %arg2[%dma_start3A_494, %dma_start3A_495] : memref<10000x144xf32, #tpu.memory_space<hbm>> -> memref<10000x144xf32, #tpu.memory_space<hbm>>
      tpu.enqueue_indirect_dma source(%dma_start3A_496 : memref<10000x144xf32, #tpu.memory_space<hbm>>) target(%arg10 : memref<80x144xf32, #tpu.memory_space<vmem>>) offsets(%dma_start3A_493 : memref<80xi32, #tpu.memory_space<vmem>>) semaphore(%arg13 : memref<!tpu.dma_semaphore, #tpu.memory_space<semaphore_mem>>)
    }
    %scan3A_235 = arith.constant 11 : i32
    %dma_wait3A_236 = arith.constant 0 : i32
    %dma_wait3A_237 = tpu.memref_slice %arg5[%dma_wait3A_236] : memref<2000xi32, #tpu.memory_space<vmem>> -> memref<80xi32, #tpu.memory_space<vmem>>
    %dma_wait3A_238 = arith.constant 0 : i32
    %dma_wait3A_239 = arith.constant 0 : i32
    %dma_wait3A_240 = tpu.memref_slice %arg2[%dma_wait3A_238, %dma_wait3A_239] : memref<10000x144xf32, #tpu.memory_space<hbm>> -> memref<10000x144xf32, #tpu.memory_space<hbm>>
    tpu.wait_indirect_dma semaphore(%arg13 : memref<!tpu.dma_semaphore, #tpu.memory_space<semaphore_mem>>) src(%dma_wait3A_240 : memref<10000x144xf32, #tpu.memory_space<hbm>>) dst(%arg10 : memref<80x144xf32, #tpu.memory_space<vmem>>)
    %dma_start3A_241 = arith.constant 1840 : i32
    %dma_start3A_242 = tpu.memref_slice %arg7[%dma_start3A_241] : memref<2000xi32, #tpu.memory_space<vmem>> -> memref<80xi32, #tpu.memory_space<vmem>>
    %dma_start3A_243 = arith.constant 0 : i32
    %dma_start3A_244 = arith.constant 0 : i32
    %dma_start3A_245 = tpu.memref_slice %arg11[%dma_start3A_243, %dma_start3A_244] : memref<10240x144xf32, #tpu.memory_space<vmem_shared>> -> memref<10240x144xf32, #tpu.memory_space<vmem_shared>>
    tpu.enqueue_indirect_dma source(%arg10 : memref<80x144xf32, #tpu.memory_space<vmem>>) target(%dma_start3A_245 : memref<10240x144xf32, #tpu.memory_space<vmem_shared>>) offsets(%dma_start3A_242 : memref<80xi32, #tpu.memory_space<vmem>>) semaphore(%arg15 : memref<!tpu.dma_semaphore, #tpu.memory_space<semaphore_mem>>) {add = true}
    %dma_wait3A_246 = arith.constant 0 : i32
    %dma_wait3A_247 = tpu.memref_slice %arg7[%dma_wait3A_246] : memref<2000xi32, #tpu.memory_space<vmem>> -> memref<80xi32, #tpu.memory_space<vmem>>
    %dma_wait3A_248 = arith.constant 0 : i32
    %dma_wait3A_249 = arith.constant 0 : i32
    %dma_wait3A_250 = tpu.memref_slice %arg11[%dma_wait3A_248, %dma_wait3A_249] : memref<10240x144xf32, #tpu.memory_space<vmem_shared>> -> memref<10240x144xf32, #tpu.memory_space<vmem_shared>>
    tpu.wait_indirect_dma semaphore(%arg14 : memref<!tpu.dma_semaphore, #tpu.memory_space<semaphore_mem>>) src(%arg9 : memref<80x144xf32, #tpu.memory_space<vmem>>) dst(%dma_wait3A_250 : memref<10240x144xf32, #tpu.memory_space<vmem_shared>>)
    %dma_start3A_251 = arith.constant 1920 : i32
    %dma_start3A_252 = tpu.memref_slice %arg5[%dma_start3A_251] : memref<2000xi32, #tpu.memory_space<vmem>> -> memref<80xi32, #tpu.memory_space<vmem>>
    %dma_start3A_253 = arith.constant 0 : i32
    %dma_start3A_254 = arith.constant 0 : i32
    %dma_start3A_255 = tpu.memref_slice %arg2[%dma_start3A_253, %dma_start3A_254] : memref<10000x144xf32, #tpu.memory_space<hbm>> -> memref<10000x144xf32, #tpu.memory_space<hbm>>
    tpu.enqueue_indirect_dma source(%dma_start3A_255 : memref<10000x144xf32, #tpu.memory_space<hbm>>) target(%arg9 : memref<80x144xf32, #tpu.memory_space<vmem>>) offsets(%dma_start3A_252 : memref<80xi32, #tpu.memory_space<vmem>>) semaphore(%arg12 : memref<!tpu.dma_semaphore, #tpu.memory_space<semaphore_mem>>)
    %dma_wait3A_256 = arith.constant 0 : i32
    %dma_wait3A_257 = tpu.memref_slice %arg5[%dma_wait3A_256] : memref<2000xi32, #tpu.memory_space<vmem>> -> memref<80xi32, #tpu.memory_space<vmem>>
    %dma_wait3A_258 = arith.constant 0 : i32
    %dma_wait3A_259 = arith.constant 0 : i32
    %dma_wait3A_260 = tpu.memref_slice %arg2[%dma_wait3A_258, %dma_wait3A_259] : memref<10000x144xf32, #tpu.memory_space<hbm>> -> memref<10000x144xf32, #tpu.memory_space<hbm>>
    tpu.wait_indirect_dma semaphore(%arg12 : memref<!tpu.dma_semaphore, #tpu.memory_space<semaphore_mem>>) src(%dma_wait3A_260 : memref<10000x144xf32, #tpu.memory_space<hbm>>) dst(%arg9 : memref<80x144xf32, #tpu.memory_space<vmem>>)
    %dma_start3A_261 = arith.constant 1920 : i32
    %dma_start3A_262 = tpu.memref_slice %arg7[%dma_start3A_261] : memref<2000xi32, #tpu.memory_space<vmem>> -> memref<80xi32, #tpu.memory_space<vmem>>
    %dma_start3A_263 = arith.constant 0 : i32
    %dma_start3A_264 = arith.constant 0 : i32
    %dma_start3A_265 = tpu.memref_slice %arg11[%dma_start3A_263, %dma_start3A_264] : memref<10240x144xf32, #tpu.memory_space<vmem_shared>> -> memref<10240x144xf32, #tpu.memory_space<vmem_shared>>
    tpu.enqueue_indirect_dma source(%arg9 : memref<80x144xf32, #tpu.memory_space<vmem>>) target(%dma_start3A_265 : memref<10240x144xf32, #tpu.memory_space<vmem_shared>>) offsets(%dma_start3A_262 : memref<80xi32, #tpu.memory_space<vmem>>) semaphore(%arg14 : memref<!tpu.dma_semaphore, #tpu.memory_space<semaphore_mem>>) {add = true}
    %dma_wait3A_266 = arith.constant 0 : i32
    %dma_wait3A_267 = tpu.memref_slice %arg7[%dma_wait3A_266] : memref<2000xi32, #tpu.memory_space<vmem>> -> memref<80xi32, #tpu.memory_space<vmem>>
    %dma_wait3A_268 = arith.constant 0 : i32
    %dma_wait3A_269 = arith.constant 0 : i32
    %dma_wait3A_270 = tpu.memref_slice %arg11[%dma_wait3A_268, %dma_wait3A_269] : memref<10240x144xf32, #tpu.memory_space<vmem_shared>> -> memref<10240x144xf32, #tpu.memory_space<vmem_shared>>
    tpu.wait_indirect_dma semaphore(%arg15 : memref<!tpu.dma_semaphore, #tpu.memory_space<semaphore_mem>>) src(%arg10 : memref<80x144xf32, #tpu.memory_space<vmem>>) dst(%dma_wait3A_270 : memref<10240x144xf32, #tpu.memory_space<vmem_shared>>)
    %dma_wait3A_271 = arith.constant 0 : i32
    %dma_wait3A_272 = tpu.memref_slice %arg7[%dma_wait3A_271] : memref<2000xi32, #tpu.memory_space<vmem>> -> memref<80xi32, #tpu.memory_space<vmem>>
    %dma_wait3A_273 = arith.constant 0 : i32
    %dma_wait3A_274 = arith.constant 0 : i32
    %dma_wait3A_275 = tpu.memref_slice %arg11[%dma_wait3A_273, %dma_wait3A_274] : memref<10240x144xf32, #tpu.memory_space<vmem_shared>> -> memref<10240x144xf32, #tpu.memory_space<vmem_shared>>
    tpu.wait_indirect_dma semaphore(%arg14 : memref<!tpu.dma_semaphore, #tpu.memory_space<semaphore_mem>>) src(%arg9 : memref<80x144xf32, #tpu.memory_space<vmem>>) dst(%dma_wait3A_275 : memref<10240x144xf32, #tpu.memory_space<vmem_shared>>)
    %add3A_276 = arith.constant 6000 : i32
    %add3A_277 = arith.addi %mul3A_2, %add3A_276 : i32
    %dma_wait3A_278 = tpu.memref_slice %arg3[%add3A_277] : memref<640000xi32, #tpu.memory_space<hbm>> -> memref<2000xi32, #tpu.memory_space<hbm>>
    %dma_wait3A_279 = tpu.memref_slice %arg3[%add3A_277] : memref<640000xi32, #tpu.memory_space<hbm>> -> memref<2000xi32, #tpu.memory_space<hbm>>
    tpu.wait_dma2 semaphore(%arg17 : memref<!tpu.dma_semaphore, #tpu.memory_space<semaphore_mem>>) src(%dma_wait3A_279 : memref<2000xi32, #tpu.memory_space<hbm>>) dst(%arg6 : memref<2000xi32, #tpu.memory_space<vmem>>)
    %add3A_280 = arith.constant 6000 : i32
    %add3A_281 = arith.addi %mul3A_2, %add3A_280 : i32
    %dma_wait3A_282 = tpu.memref_slice %arg3[%add3A_281] : memref<640000xi32, #tpu.memory_space<hbm>> -> memref<2000xi32, #tpu.memory_space<hbm>>
    %dma_wait3A_283 = tpu.memref_slice %arg3[%add3A_281] : memref<640000xi32, #tpu.memory_space<hbm>> -> memref<2000xi32, #tpu.memory_space<hbm>>
    tpu.wait_dma2 semaphore(%arg17 : memref<!tpu.dma_semaphore, #tpu.memory_space<semaphore_mem>>) src(%dma_wait3A_283 : memref<2000xi32, #tpu.memory_space<hbm>>) dst(%arg8 : memref<2000xi32, #tpu.memory_space<vmem>>)
    %add3A_284 = arith.constant 8000 : i32
    %add3A_285 = arith.addi %mul3A_2, %add3A_284 : i32
    %dma_start3A_286 = tpu.memref_slice %arg3[%add3A_285] : memref<640000xi32, #tpu.memory_space<hbm>> -> memref<2000xi32, #tpu.memory_space<hbm>>
    %dma_start3A_287 = tpu.memref_slice %arg3[%add3A_285] : memref<640000xi32, #tpu.memory_space<hbm>> -> memref<2000xi32, #tpu.memory_space<hbm>>
    tpu.enqueue_dma source(%dma_start3A_287 : memref<2000xi32, #tpu.memory_space<hbm>>) target(%arg5 : memref<2000xi32, #tpu.memory_space<vmem>>) target_semaphore(%arg16 : memref<!tpu.dma_semaphore, #tpu.memory_space<semaphore_mem>>)
    %add3A_288 = arith.constant 320000 : i32
    %add3A_289 = arith.addi %add3A_288, %mul3A_2 : i32
    %add3A_290 = arith.constant 8000 : i32
    %add3A_291 = arith.addi %add3A_289, %add3A_290 : i32
    %dma_start3A_292 = tpu.memref_slice %arg3[%add3A_291] : memref<640000xi32, #tpu.memory_space<hbm>> -> memref<2000xi32, #tpu.memory_space<hbm>>
    %dma_start3A_293 = tpu.memref_slice %arg3[%add3A_291] : memref<640000xi32, #tpu.memory_space<hbm>> -> memref<2000xi32, #tpu.memory_space<hbm>>
    tpu.enqueue_dma source(%dma_start3A_293 : memref<2000xi32, #tpu.memory_space<hbm>>) target(%arg7 : memref<2000xi32, #tpu.memory_space<vmem>>) target_semaphore(%arg16 : memref<!tpu.dma_semaphore, #tpu.memory_space<semaphore_mem>>)
    %dma_start3A_294 = arith.constant 0 : i32
    %dma_start3A_295 = tpu.memref_slice %arg6[%dma_start3A_294] : memref<2000xi32, #tpu.memory_space<vmem>> -> memref<80xi32, #tpu.memory_space<vmem>>
    %dma_start3A_296 = arith.constant 0 : i32
    %dma_start3A_297 = arith.constant 0 : i32
    %dma_start3A_298 = tpu.memref_slice %arg2[%dma_start3A_296, %dma_start3A_297] : memref<10000x144xf32, #tpu.memory_space<hbm>> -> memref<10000x144xf32, #tpu.memory_space<hbm>>
    tpu.enqueue_indirect_dma source(%dma_start3A_298 : memref<10000x144xf32, #tpu.memory_space<hbm>>) target(%arg9 : memref<80x144xf32, #tpu.memory_space<vmem>>) offsets(%dma_start3A_295 : memref<80xi32, #tpu.memory_space<vmem>>) semaphore(%arg12 : memref<!tpu.dma_semaphore, #tpu.memory_space<semaphore_mem>>)
    %dma_wait3A_299 = arith.constant 0 : i32
    %dma_wait3A_300 = tpu.memref_slice %arg5[%dma_wait3A_299] : memref<2000xi32, #tpu.memory_space<vmem>> -> memref<80xi32, #tpu.memory_space<vmem>>
    %dma_wait3A_301 = arith.constant 0 : i32
    %dma_wait3A_302 = arith.constant 0 : i32
    %dma_wait3A_303 = tpu.memref_slice %arg2[%dma_wait3A_301, %dma_wait3A_302] : memref<10000x144xf32, #tpu.memory_space<hbm>> -> memref<10000x144xf32, #tpu.memory_space<hbm>>
    tpu.wait_indirect_dma semaphore(%arg12 : memref<!tpu.dma_semaphore, #tpu.memory_space<semaphore_mem>>) src(%dma_wait3A_303 : memref<10000x144xf32, #tpu.memory_space<hbm>>) dst(%arg9 : memref<80x144xf32, #tpu.memory_space<vmem>>)
    %dma_start3A_304 = arith.constant 0 : i32
    %dma_start3A_305 = tpu.memref_slice %arg8[%dma_start3A_304] : memref<2000xi32, #tpu.memory_space<vmem>> -> memref<80xi32, #tpu.memory_space<vmem>>
    %dma_start3A_306 = arith.constant 0 : i32
    %dma_start3A_307 = arith.constant 0 : i32
    %dma_start3A_308 = tpu.memref_slice %arg11[%dma_start3A_306, %dma_start3A_307] : memref<10240x144xf32, #tpu.memory_space<vmem_shared>> -> memref<10240x144xf32, #tpu.memory_space<vmem_shared>>
    tpu.enqueue_indirect_dma source(%arg9 : memref<80x144xf32, #tpu.memory_space<vmem>>) target(%dma_start3A_308 : memref<10240x144xf32, #tpu.memory_space<vmem_shared>>) offsets(%dma_start3A_305 : memref<80xi32, #tpu.memory_space<vmem>>) semaphore(%arg14 : memref<!tpu.dma_semaphore, #tpu.memory_space<semaphore_mem>>) {add = true}
    %dma_start3A_309 = arith.constant 80 : i32
    %dma_start3A_310 = tpu.memref_slice %arg6[%dma_start3A_309] : memref<2000xi32, #tpu.memory_space<vmem>> -> memref<80xi32, #tpu.memory_space<vmem>>
    %dma_start3A_311 = arith.constant 0 : i32
    %dma_start3A_312 = arith.constant 0 : i32
    %dma_start3A_313 = tpu.memref_slice %arg2[%dma_start3A_311, %dma_start3A_312] : memref<10000x144xf32, #tpu.memory_space<hbm>> -> memref<10000x144xf32, #tpu.memory_space<hbm>>
    tpu.enqueue_indirect_dma source(%dma_start3A_313 : memref<10000x144xf32, #tpu.memory_space<hbm>>) target(%arg10 : memref<80x144xf32, #tpu.memory_space<vmem>>) offsets(%dma_start3A_310 : memref<80xi32, #tpu.memory_space<vmem>>) semaphore(%arg13 : memref<!tpu.dma_semaphore, #tpu.memory_space<semaphore_mem>>)
    %scan3A_314 = arith.constant 0 : i32
    %scan3A_315 = arith.constant 11 : i32
    %scan3A_316 = arith.addi %scan3A_314, %scan3A_315 : i32
    %scan3A_317 = arith.constant 1 : i32
    scf.for %scan3A_438 = %scan3A_314 to %scan3A_316 step %scan3A_317  : i32 {
      %mul3A_439 = arith.constant 1 : i32
      %mul3A_440 = arith.muli %scan3A_438, %mul3A_439 : i32
      %add3A_441 = arith.constant 0 : i32
      %add3A_442 = arith.addi %add3A_441, %mul3A_440 : i32
      %mul3A_443 = arith.constant 2 : i32
      %mul3A_444 = arith.muli %add3A_442, %mul3A_443 : i32
      %add3A_445 = arith.constant 1 : i32
      %add3A_446 = arith.addi %add3A_445, %mul3A_444 : i32
      %dma_wait3A_447 = arith.constant 0 : i32
      %dma_wait3A_448 = tpu.memref_slice %arg5[%dma_wait3A_447] : memref<2000xi32, #tpu.memory_space<vmem>> -> memref<80xi32, #tpu.memory_space<vmem>>
      %dma_wait3A_449 = arith.constant 0 : i32
      %dma_wait3A_450 = arith.constant 0 : i32
      %dma_wait3A_451 = tpu.memref_slice %arg2[%dma_wait3A_449, %dma_wait3A_450] : memref<10000x144xf32, #tpu.memory_space<hbm>> -> memref<10000x144xf32, #tpu.memory_space<hbm>>
      tpu.wait_indirect_dma semaphore(%arg13 : memref<!tpu.dma_semaphore, #tpu.memory_space<semaphore_mem>>) src(%dma_wait3A_451 : memref<10000x144xf32, #tpu.memory_space<hbm>>) dst(%arg10 : memref<80x144xf32, #tpu.memory_space<vmem>>)
      %mul3A_452 = arith.constant 80 : i32
      %mul3A_453 = arith.muli %add3A_446, %mul3A_452 : i32
      %dma_start3A_454 = tpu.memref_slice %arg8[%mul3A_453] : memref<2000xi32, #tpu.memory_space<vmem>> -> memref<80xi32, #tpu.memory_space<vmem>>
      %dma_start3A_455 = arith.constant 0 : i32
      %dma_start3A_456 = arith.constant 0 : i32
      %dma_start3A_457 = tpu.memref_slice %arg11[%dma_start3A_455, %dma_start3A_456] : memref<10240x144xf32, #tpu.memory_space<vmem_shared>> -> memref<10240x144xf32, #tpu.memory_space<vmem_shared>>
      tpu.enqueue_indirect_dma source(%arg10 : memref<80x144xf32, #tpu.memory_space<vmem>>) target(%dma_start3A_457 : memref<10240x144xf32, #tpu.memory_space<vmem_shared>>) offsets(%dma_start3A_454 : memref<80xi32, #tpu.memory_space<vmem>>) semaphore(%arg15 : memref<!tpu.dma_semaphore, #tpu.memory_space<semaphore_mem>>) {add = true}
      %dma_wait3A_458 = arith.constant 0 : i32
      %dma_wait3A_459 = tpu.memref_slice %arg7[%dma_wait3A_458] : memref<2000xi32, #tpu.memory_space<vmem>> -> memref<80xi32, #tpu.memory_space<vmem>>
      %dma_wait3A_460 = arith.constant 0 : i32
      %dma_wait3A_461 = arith.constant 0 : i32
      %dma_wait3A_462 = tpu.memref_slice %arg11[%dma_wait3A_460, %dma_wait3A_461] : memref<10240x144xf32, #tpu.memory_space<vmem_shared>> -> memref<10240x144xf32, #tpu.memory_space<vmem_shared>>
      tpu.wait_indirect_dma semaphore(%arg14 : memref<!tpu.dma_semaphore, #tpu.memory_space<semaphore_mem>>) src(%arg9 : memref<80x144xf32, #tpu.memory_space<vmem>>) dst(%dma_wait3A_462 : memref<10240x144xf32, #tpu.memory_space<vmem_shared>>)
      %add3A_463 = arith.constant 1 : i32
      %add3A_464 = arith.addi %add3A_446, %add3A_463 : i32
      %mul3A_465 = arith.constant 80 : i32
      %mul3A_466 = arith.muli %add3A_464, %mul3A_465 : i32
      %dma_start3A_467 = tpu.memref_slice %arg6[%mul3A_466] : memref<2000xi32, #tpu.memory_space<vmem>> -> memref<80xi32, #tpu.memory_space<vmem>>
      %dma_start3A_468 = arith.constant 0 : i32
      %dma_start3A_469 = arith.constant 0 : i32
      %dma_start3A_470 = tpu.memref_slice %arg2[%dma_start3A_468, %dma_start3A_469] : memref<10000x144xf32, #tpu.memory_space<hbm>> -> memref<10000x144xf32, #tpu.memory_space<hbm>>
      tpu.enqueue_indirect_dma source(%dma_start3A_470 : memref<10000x144xf32, #tpu.memory_space<hbm>>) target(%arg9 : memref<80x144xf32, #tpu.memory_space<vmem>>) offsets(%dma_start3A_467 : memref<80xi32, #tpu.memory_space<vmem>>) semaphore(%arg12 : memref<!tpu.dma_semaphore, #tpu.memory_space<semaphore_mem>>)
      %dma_wait3A_471 = arith.constant 0 : i32
      %dma_wait3A_472 = tpu.memref_slice %arg5[%dma_wait3A_471] : memref<2000xi32, #tpu.memory_space<vmem>> -> memref<80xi32, #tpu.memory_space<vmem>>
      %dma_wait3A_473 = arith.constant 0 : i32
      %dma_wait3A_474 = arith.constant 0 : i32
      %dma_wait3A_475 = tpu.memref_slice %arg2[%dma_wait3A_473, %dma_wait3A_474] : memref<10000x144xf32, #tpu.memory_space<hbm>> -> memref<10000x144xf32, #tpu.memory_space<hbm>>
      tpu.wait_indirect_dma semaphore(%arg12 : memref<!tpu.dma_semaphore, #tpu.memory_space<semaphore_mem>>) src(%dma_wait3A_475 : memref<10000x144xf32, #tpu.memory_space<hbm>>) dst(%arg9 : memref<80x144xf32, #tpu.memory_space<vmem>>)
      %add3A_476 = arith.constant 1 : i32
      %add3A_477 = arith.addi %add3A_446, %add3A_476 : i32
      %mul3A_478 = arith.constant 80 : i32
      %mul3A_479 = arith.muli %add3A_477, %mul3A_478 : i32
      %dma_start3A_480 = tpu.memref_slice %arg8[%mul3A_479] : memref<2000xi32, #tpu.memory_space<vmem>> -> memref<80xi32, #tpu.memory_space<vmem>>
      %dma_start3A_481 = arith.constant 0 : i32
      %dma_start3A_482 = arith.constant 0 : i32
      %dma_start3A_483 = tpu.memref_slice %arg11[%dma_start3A_481, %dma_start3A_482] : memref<10240x144xf32, #tpu.memory_space<vmem_shared>> -> memref<10240x144xf32, #tpu.memory_space<vmem_shared>>
      tpu.enqueue_indirect_dma source(%arg9 : memref<80x144xf32, #tpu.memory_space<vmem>>) target(%dma_start3A_483 : memref<10240x144xf32, #tpu.memory_space<vmem_shared>>) offsets(%dma_start3A_480 : memref<80xi32, #tpu.memory_space<vmem>>) semaphore(%arg14 : memref<!tpu.dma_semaphore, #tpu.memory_space<semaphore_mem>>) {add = true}
      %dma_wait3A_484 = arith.constant 0 : i32
      %dma_wait3A_485 = tpu.memref_slice %arg7[%dma_wait3A_484] : memref<2000xi32, #tpu.memory_space<vmem>> -> memref<80xi32, #tpu.memory_space<vmem>>
      %dma_wait3A_486 = arith.constant 0 : i32
      %dma_wait3A_487 = arith.constant 0 : i32
      %dma_wait3A_488 = tpu.memref_slice %arg11[%dma_wait3A_486, %dma_wait3A_487] : memref<10240x144xf32, #tpu.memory_space<vmem_shared>> -> memref<10240x144xf32, #tpu.memory_space<vmem_shared>>
      tpu.wait_indirect_dma semaphore(%arg15 : memref<!tpu.dma_semaphore, #tpu.memory_space<semaphore_mem>>) src(%arg10 : memref<80x144xf32, #tpu.memory_space<vmem>>) dst(%dma_wait3A_488 : memref<10240x144xf32, #tpu.memory_space<vmem_shared>>)
      %add3A_489 = arith.constant 2 : i32
      %add3A_490 = arith.addi %add3A_446, %add3A_489 : i32
      %mul3A_491 = arith.constant 80 : i32
      %mul3A_492 = arith.muli %add3A_490, %mul3A_491 : i32
      %dma_start3A_493 = tpu.memref_slice %arg6[%mul3A_492] : memref<2000xi32, #tpu.memory_space<vmem>> -> memref<80xi32, #tpu.memory_space<vmem>>
      %dma_start3A_494 = arith.constant 0 : i32
      %dma_start3A_495 = arith.constant 0 : i32
      %dma_start3A_496 = tpu.memref_slice %arg2[%dma_start3A_494, %dma_start3A_495] : memref<10000x144xf32, #tpu.memory_space<hbm>> -> memref<10000x144xf32, #tpu.memory_space<hbm>>
      tpu.enqueue_indirect_dma source(%dma_start3A_496 : memref<10000x144xf32, #tpu.memory_space<hbm>>) target(%arg10 : memref<80x144xf32, #tpu.memory_space<vmem>>) offsets(%dma_start3A_493 : memref<80xi32, #tpu.memory_space<vmem>>) semaphore(%arg13 : memref<!tpu.dma_semaphore, #tpu.memory_space<semaphore_mem>>)
    }
    %scan3A_318 = arith.constant 11 : i32
    %dma_wait3A_319 = arith.constant 0 : i32
    %dma_wait3A_320 = tpu.memref_slice %arg5[%dma_wait3A_319] : memref<2000xi32, #tpu.memory_space<vmem>> -> memref<80xi32, #tpu.memory_space<vmem>>
    %dma_wait3A_321 = arith.constant 0 : i32
    %dma_wait3A_322 = arith.constant 0 : i32
    %dma_wait3A_323 = tpu.memref_slice %arg2[%dma_wait3A_321, %dma_wait3A_322] : memref<10000x144xf32, #tpu.memory_space<hbm>> -> memref<10000x144xf32, #tpu.memory_space<hbm>>
    tpu.wait_indirect_dma semaphore(%arg13 : memref<!tpu.dma_semaphore, #tpu.memory_space<semaphore_mem>>) src(%dma_wait3A_323 : memref<10000x144xf32, #tpu.memory_space<hbm>>) dst(%arg10 : memref<80x144xf32, #tpu.memory_space<vmem>>)
    %dma_start3A_324 = arith.constant 1840 : i32
    %dma_start3A_325 = tpu.memref_slice %arg8[%dma_start3A_324] : memref<2000xi32, #tpu.memory_space<vmem>> -> memref<80xi32, #tpu.memory_space<vmem>>
    %dma_start3A_326 = arith.constant 0 : i32
    %dma_start3A_327 = arith.constant 0 : i32
    %dma_start3A_328 = tpu.memref_slice %arg11[%dma_start3A_326, %dma_start3A_327] : memref<10240x144xf32, #tpu.memory_space<vmem_shared>> -> memref<10240x144xf32, #tpu.memory_space<vmem_shared>>
    tpu.enqueue_indirect_dma source(%arg10 : memref<80x144xf32, #tpu.memory_space<vmem>>) target(%dma_start3A_328 : memref<10240x144xf32, #tpu.memory_space<vmem_shared>>) offsets(%dma_start3A_325 : memref<80xi32, #tpu.memory_space<vmem>>) semaphore(%arg15 : memref<!tpu.dma_semaphore, #tpu.memory_space<semaphore_mem>>) {add = true}
    %dma_wait3A_329 = arith.constant 0 : i32
    %dma_wait3A_330 = tpu.memref_slice %arg7[%dma_wait3A_329] : memref<2000xi32, #tpu.memory_space<vmem>> -> memref<80xi32, #tpu.memory_space<vmem>>
    %dma_wait3A_331 = arith.constant 0 : i32
    %dma_wait3A_332 = arith.constant 0 : i32
    %dma_wait3A_333 = tpu.memref_slice %arg11[%dma_wait3A_331, %dma_wait3A_332] : memref<10240x144xf32, #tpu.memory_space<vmem_shared>> -> memref<10240x144xf32, #tpu.memory_space<vmem_shared>>
    tpu.wait_indirect_dma semaphore(%arg14 : memref<!tpu.dma_semaphore, #tpu.memory_space<semaphore_mem>>) src(%arg9 : memref<80x144xf32, #tpu.memory_space<vmem>>) dst(%dma_wait3A_333 : memref<10240x144xf32, #tpu.memory_space<vmem_shared>>)
    %dma_start3A_334 = arith.constant 1920 : i32
    %dma_start3A_335 = tpu.memref_slice %arg6[%dma_start3A_334] : memref<2000xi32, #tpu.memory_space<vmem>> -> memref<80xi32, #tpu.memory_space<vmem>>
    %dma_start3A_336 = arith.constant 0 : i32
    %dma_start3A_337 = arith.constant 0 : i32
    %dma_start3A_338 = tpu.memref_slice %arg2[%dma_start3A_336, %dma_start3A_337] : memref<10000x144xf32, #tpu.memory_space<hbm>> -> memref<10000x144xf32, #tpu.memory_space<hbm>>
    tpu.enqueue_indirect_dma source(%dma_start3A_338 : memref<10000x144xf32, #tpu.memory_space<hbm>>) target(%arg9 : memref<80x144xf32, #tpu.memory_space<vmem>>) offsets(%dma_start3A_335 : memref<80xi32, #tpu.memory_space<vmem>>) semaphore(%arg12 : memref<!tpu.dma_semaphore, #tpu.memory_space<semaphore_mem>>)
    %dma_wait3A_339 = arith.constant 0 : i32
    %dma_wait3A_340 = tpu.memref_slice %arg5[%dma_wait3A_339] : memref<2000xi32, #tpu.memory_space<vmem>> -> memref<80xi32, #tpu.memory_space<vmem>>
    %dma_wait3A_341 = arith.constant 0 : i32
    %dma_wait3A_342 = arith.constant 0 : i32
    %dma_wait3A_343 = tpu.memref_slice %arg2[%dma_wait3A_341, %dma_wait3A_342] : memref<10000x144xf32, #tpu.memory_space<hbm>> -> memref<10000x144xf32, #tpu.memory_space<hbm>>
    tpu.wait_indirect_dma semaphore(%arg12 : memref<!tpu.dma_semaphore, #tpu.memory_space<semaphore_mem>>) src(%dma_wait3A_343 : memref<10000x144xf32, #tpu.memory_space<hbm>>) dst(%arg9 : memref<80x144xf32, #tpu.memory_space<vmem>>)
    %dma_start3A_344 = arith.constant 1920 : i32
    %dma_start3A_345 = tpu.memref_slice %arg8[%dma_start3A_344] : memref<2000xi32, #tpu.memory_space<vmem>> -> memref<80xi32, #tpu.memory_space<vmem>>
    %dma_start3A_346 = arith.constant 0 : i32
    %dma_start3A_347 = arith.constant 0 : i32
    %dma_start3A_348 = tpu.memref_slice %arg11[%dma_start3A_346, %dma_start3A_347] : memref<10240x144xf32, #tpu.memory_space<vmem_shared>> -> memref<10240x144xf32, #tpu.memory_space<vmem_shared>>
    tpu.enqueue_indirect_dma source(%arg9 : memref<80x144xf32, #tpu.memory_space<vmem>>) target(%dma_start3A_348 : memref<10240x144xf32, #tpu.memory_space<vmem_shared>>) offsets(%dma_start3A_345 : memref<80xi32, #tpu.memory_space<vmem>>) semaphore(%arg14 : memref<!tpu.dma_semaphore, #tpu.memory_space<semaphore_mem>>) {add = true}
    %dma_wait3A_349 = arith.constant 0 : i32
    %dma_wait3A_350 = tpu.memref_slice %arg7[%dma_wait3A_349] : memref<2000xi32, #tpu.memory_space<vmem>> -> memref<80xi32, #tpu.memory_space<vmem>>
    %dma_wait3A_351 = arith.constant 0 : i32
    %dma_wait3A_352 = arith.constant 0 : i32
    %dma_wait3A_353 = tpu.memref_slice %arg11[%dma_wait3A_351, %dma_wait3A_352] : memref<10240x144xf32, #tpu.memory_space<vmem_shared>> -> memref<10240x144xf32, #tpu.memory_space<vmem_shared>>
    tpu.wait_indirect_dma semaphore(%arg15 : memref<!tpu.dma_semaphore, #tpu.memory_space<semaphore_mem>>) src(%arg10 : memref<80x144xf32, #tpu.memory_space<vmem>>) dst(%dma_wait3A_353 : memref<10240x144xf32, #tpu.memory_space<vmem_shared>>)
    %dma_wait3A_354 = arith.constant 0 : i32
    %dma_wait3A_355 = tpu.memref_slice %arg7[%dma_wait3A_354] : memref<2000xi32, #tpu.memory_space<vmem>> -> memref<80xi32, #tpu.memory_space<vmem>>
    %dma_wait3A_356 = arith.constant 0 : i32
    %dma_wait3A_357 = arith.constant 0 : i32
    %dma_wait3A_358 = tpu.memref_slice %arg11[%dma_wait3A_356, %dma_wait3A_357] : memref<10240x144xf32, #tpu.memory_space<vmem_shared>> -> memref<10240x144xf32, #tpu.memory_space<vmem_shared>>
    tpu.wait_indirect_dma semaphore(%arg14 : memref<!tpu.dma_semaphore, #tpu.memory_space<semaphore_mem>>) src(%arg9 : memref<80x144xf32, #tpu.memory_space<vmem>>) dst(%dma_wait3A_358 : memref<10240x144xf32, #tpu.memory_space<vmem_shared>>)
    %add3A_359 = arith.constant 8000 : i32
    %add3A_360 = arith.addi %mul3A_2, %add3A_359 : i32
    %dma_wait3A_361 = tpu.memref_slice %arg3[%add3A_360] : memref<640000xi32, #tpu.memory_space<hbm>> -> memref<2000xi32, #tpu.memory_space<hbm>>
    %dma_wait3A_362 = tpu.memref_slice %arg3[%add3A_360] : memref<640000xi32, #tpu.memory_space<hbm>> -> memref<2000xi32, #tpu.memory_space<hbm>>
    tpu.wait_dma2 semaphore(%arg16 : memref<!tpu.dma_semaphore, #tpu.memory_space<semaphore_mem>>) src(%dma_wait3A_362 : memref<2000xi32, #tpu.memory_space<hbm>>) dst(%arg5 : memref<2000xi32, #tpu.memory_space<vmem>>)
    %add3A_363 = arith.constant 8000 : i32
    %add3A_364 = arith.addi %mul3A_2, %add3A_363 : i32
    %dma_wait3A_365 = tpu.memref_slice %arg3[%add3A_364] : memref<640000xi32, #tpu.memory_space<hbm>> -> memref<2000xi32, #tpu.memory_space<hbm>>
    %dma_wait3A_366 = tpu.memref_slice %arg3[%add3A_364] : memref<640000xi32, #tpu.memory_space<hbm>> -> memref<2000xi32, #tpu.memory_space<hbm>>
    tpu.wait_dma2 semaphore(%arg16 : memref<!tpu.dma_semaphore, #tpu.memory_space<semaphore_mem>>) src(%dma_wait3A_366 : memref<2000xi32, #tpu.memory_space<hbm>>) dst(%arg7 : memref<2000xi32, #tpu.memory_space<vmem>>)
    %dma_start3A_367 = arith.constant 0 : i32
    %dma_start3A_368 = tpu.memref_slice %arg5[%dma_start3A_367] : memref<2000xi32, #tpu.memory_space<vmem>> -> memref<80xi32, #tpu.memory_space<vmem>>
    %dma_start3A_369 = arith.constant 0 : i32
    %dma_start3A_370 = arith.constant 0 : i32
    %dma_start3A_371 = tpu.memref_slice %arg2[%dma_start3A_369, %dma_start3A_370] : memref<10000x144xf32, #tpu.memory_space<hbm>> -> memref<10000x144xf32, #tpu.memory_space<hbm>>
    tpu.enqueue_indirect_dma source(%dma_start3A_371 : memref<10000x144xf32, #tpu.memory_space<hbm>>) target(%arg9 : memref<80x144xf32, #tpu.memory_space<vmem>>) offsets(%dma_start3A_368 : memref<80xi32, #tpu.memory_space<vmem>>) semaphore(%arg12 : memref<!tpu.dma_semaphore, #tpu.memory_space<semaphore_mem>>)
    %dma_wait3A_372 = arith.constant 0 : i32
    %dma_wait3A_373 = tpu.memref_slice %arg5[%dma_wait3A_372] : memref<2000xi32, #tpu.memory_space<vmem>> -> memref<80xi32, #tpu.memory_space<vmem>>
    %dma_wait3A_374 = arith.constant 0 : i32
    %dma_wait3A_375 = arith.constant 0 : i32
    %dma_wait3A_376 = tpu.memref_slice %arg2[%dma_wait3A_374, %dma_wait3A_375] : memref<10000x144xf32, #tpu.memory_space<hbm>> -> memref<10000x144xf32, #tpu.memory_space<hbm>>
    tpu.wait_indirect_dma semaphore(%arg12 : memref<!tpu.dma_semaphore, #tpu.memory_space<semaphore_mem>>) src(%dma_wait3A_376 : memref<10000x144xf32, #tpu.memory_space<hbm>>) dst(%arg9 : memref<80x144xf32, #tpu.memory_space<vmem>>)
    %dma_start3A_377 = arith.constant 0 : i32
    %dma_start3A_378 = tpu.memref_slice %arg7[%dma_start3A_377] : memref<2000xi32, #tpu.memory_space<vmem>> -> memref<80xi32, #tpu.memory_space<vmem>>
    %dma_start3A_379 = arith.constant 0 : i32
    %dma_start3A_380 = arith.constant 0 : i32
    %dma_start3A_381 = tpu.memref_slice %arg11[%dma_start3A_379, %dma_start3A_380] : memref<10240x144xf32, #tpu.memory_space<vmem_shared>> -> memref<10240x144xf32, #tpu.memory_space<vmem_shared>>
    tpu.enqueue_indirect_dma source(%arg9 : memref<80x144xf32, #tpu.memory_space<vmem>>) target(%dma_start3A_381 : memref<10240x144xf32, #tpu.memory_space<vmem_shared>>) offsets(%dma_start3A_378 : memref<80xi32, #tpu.memory_space<vmem>>) semaphore(%arg14 : memref<!tpu.dma_semaphore, #tpu.memory_space<semaphore_mem>>) {add = true}
    %dma_start3A_382 = arith.constant 80 : i32
    %dma_start3A_383 = tpu.memref_slice %arg5[%dma_start3A_382] : memref<2000xi32, #tpu.memory_space<vmem>> -> memref<80xi32, #tpu.memory_space<vmem>>
    %dma_start3A_384 = arith.constant 0 : i32
    %dma_start3A_385 = arith.constant 0 : i32
    %dma_start3A_386 = tpu.memref_slice %arg2[%dma_start3A_384, %dma_start3A_385] : memref<10000x144xf32, #tpu.memory_space<hbm>> -> memref<10000x144xf32, #tpu.memory_space<hbm>>
    tpu.enqueue_indirect_dma source(%dma_start3A_386 : memref<10000x144xf32, #tpu.memory_space<hbm>>) target(%arg10 : memref<80x144xf32, #tpu.memory_space<vmem>>) offsets(%dma_start3A_383 : memref<80xi32, #tpu.memory_space<vmem>>) semaphore(%arg13 : memref<!tpu.dma_semaphore, #tpu.memory_space<semaphore_mem>>)
    %scan3A_387 = arith.constant 0 : i32
    %scan3A_388 = arith.constant 11 : i32
    %scan3A_389 = arith.addi %scan3A_387, %scan3A_388 : i32
    %scan3A_390 = arith.constant 1 : i32
    scf.for %scan3A_438 = %scan3A_387 to %scan3A_389 step %scan3A_390  : i32 {
      %mul3A_439 = arith.constant 1 : i32
      %mul3A_440 = arith.muli %scan3A_438, %mul3A_439 : i32
      %add3A_441 = arith.constant 0 : i32
      %add3A_442 = arith.addi %add3A_441, %mul3A_440 : i32
      %mul3A_443 = arith.constant 2 : i32
      %mul3A_444 = arith.muli %add3A_442, %mul3A_443 : i32
      %add3A_445 = arith.constant 1 : i32
      %add3A_446 = arith.addi %add3A_445, %mul3A_444 : i32
      %dma_wait3A_447 = arith.constant 0 : i32
      %dma_wait3A_448 = tpu.memref_slice %arg5[%dma_wait3A_447] : memref<2000xi32, #tpu.memory_space<vmem>> -> memref<80xi32, #tpu.memory_space<vmem>>
      %dma_wait3A_449 = arith.constant 0 : i32
      %dma_wait3A_450 = arith.constant 0 : i32
      %dma_wait3A_451 = tpu.memref_slice %arg2[%dma_wait3A_449, %dma_wait3A_450] : memref<10000x144xf32, #tpu.memory_space<hbm>> -> memref<10000x144xf32, #tpu.memory_space<hbm>>
      tpu.wait_indirect_dma semaphore(%arg13 : memref<!tpu.dma_semaphore, #tpu.memory_space<semaphore_mem>>) src(%dma_wait3A_451 : memref<10000x144xf32, #tpu.memory_space<hbm>>) dst(%arg10 : memref<80x144xf32, #tpu.memory_space<vmem>>)
      %mul3A_452 = arith.constant 80 : i32
      %mul3A_453 = arith.muli %add3A_446, %mul3A_452 : i32
      %dma_start3A_454 = tpu.memref_slice %arg7[%mul3A_453] : memref<2000xi32, #tpu.memory_space<vmem>> -> memref<80xi32, #tpu.memory_space<vmem>>
      %dma_start3A_455 = arith.constant 0 : i32
      %dma_start3A_456 = arith.constant 0 : i32
      %dma_start3A_457 = tpu.memref_slice %arg11[%dma_start3A_455, %dma_start3A_456] : memref<10240x144xf32, #tpu.memory_space<vmem_shared>> -> memref<10240x144xf32, #tpu.memory_space<vmem_shared>>
      tpu.enqueue_indirect_dma source(%arg10 : memref<80x144xf32, #tpu.memory_space<vmem>>) target(%dma_start3A_457 : memref<10240x144xf32, #tpu.memory_space<vmem_shared>>) offsets(%dma_start3A_454 : memref<80xi32, #tpu.memory_space<vmem>>) semaphore(%arg15 : memref<!tpu.dma_semaphore, #tpu.memory_space<semaphore_mem>>) {add = true}
      %dma_wait3A_458 = arith.constant 0 : i32
      %dma_wait3A_459 = tpu.memref_slice %arg7[%dma_wait3A_458] : memref<2000xi32, #tpu.memory_space<vmem>> -> memref<80xi32, #tpu.memory_space<vmem>>
      %dma_wait3A_460 = arith.constant 0 : i32
      %dma_wait3A_461 = arith.constant 0 : i32
      %dma_wait3A_462 = tpu.memref_slice %arg11[%dma_wait3A_460, %dma_wait3A_461] : memref<10240x144xf32, #tpu.memory_space<vmem_shared>> -> memref<10240x144xf32, #tpu.memory_space<vmem_shared>>
      tpu.wait_indirect_dma semaphore(%arg14 : memref<!tpu.dma_semaphore, #tpu.memory_space<semaphore_mem>>) src(%arg9 : memref<80x144xf32, #tpu.memory_space<vmem>>) dst(%dma_wait3A_462 : memref<10240x144xf32, #tpu.memory_space<vmem_shared>>)
      %add3A_463 = arith.constant 1 : i32
      %add3A_464 = arith.addi %add3A_446, %add3A_463 : i32
      %mul3A_465 = arith.constant 80 : i32
      %mul3A_466 = arith.muli %add3A_464, %mul3A_465 : i32
      %dma_start3A_467 = tpu.memref_slice %arg5[%mul3A_466] : memref<2000xi32, #tpu.memory_space<vmem>> -> memref<80xi32, #tpu.memory_space<vmem>>
      %dma_start3A_468 = arith.constant 0 : i32
      %dma_start3A_469 = arith.constant 0 : i32
      %dma_start3A_470 = tpu.memref_slice %arg2[%dma_start3A_468, %dma_start3A_469] : memref<10000x144xf32, #tpu.memory_space<hbm>> -> memref<10000x144xf32, #tpu.memory_space<hbm>>
      tpu.enqueue_indirect_dma source(%dma_start3A_470 : memref<10000x144xf32, #tpu.memory_space<hbm>>) target(%arg9 : memref<80x144xf32, #tpu.memory_space<vmem>>) offsets(%dma_start3A_467 : memref<80xi32, #tpu.memory_space<vmem>>) semaphore(%arg12 : memref<!tpu.dma_semaphore, #tpu.memory_space<semaphore_mem>>)
      %dma_wait3A_471 = arith.constant 0 : i32
      %dma_wait3A_472 = tpu.memref_slice %arg5[%dma_wait3A_471] : memref<2000xi32, #tpu.memory_space<vmem>> -> memref<80xi32, #tpu.memory_space<vmem>>
      %dma_wait3A_473 = arith.constant 0 : i32
      %dma_wait3A_474 = arith.constant 0 : i32
      %dma_wait3A_475 = tpu.memref_slice %arg2[%dma_wait3A_473, %dma_wait3A_474] : memref<10000x144xf32, #tpu.memory_space<hbm>> -> memref<10000x144xf32, #tpu.memory_space<hbm>>
      tpu.wait_indirect_dma semaphore(%arg12 : memref<!tpu.dma_semaphore, #tpu.memory_space<semaphore_mem>>) src(%dma_wait3A_475 : memref<10000x144xf32, #tpu.memory_space<hbm>>) dst(%arg9 : memref<80x144xf32, #tpu.memory_space<vmem>>)
      %add3A_476 = arith.constant 1 : i32
      %add3A_477 = arith.addi %add3A_446, %add3A_476 : i32
      %mul3A_478 = arith.constant 80 : i32
      %mul3A_479 = arith.muli %add3A_477, %mul3A_478 : i32
      %dma_start3A_480 = tpu.memref_slice %arg7[%mul3A_479] : memref<2000xi32, #tpu.memory_space<vmem>> -> memref<80xi32, #tpu.memory_space<vmem>>
      %dma_start3A_481 = arith.constant 0 : i32
      %dma_start3A_482 = arith.constant 0 : i32
      %dma_start3A_483 = tpu.memref_slice %arg11[%dma_start3A_481, %dma_start3A_482] : memref<10240x144xf32, #tpu.memory_space<vmem_shared>> -> memref<10240x144xf32, #tpu.memory_space<vmem_shared>>
      tpu.enqueue_indirect_dma source(%arg9 : memref<80x144xf32, #tpu.memory_space<vmem>>) target(%dma_start3A_483 : memref<10240x144xf32, #tpu.memory_space<vmem_shared>>) offsets(%dma_start3A_480 : memref<80xi32, #tpu.memory_space<vmem>>) semaphore(%arg14 : memref<!tpu.dma_semaphore, #tpu.memory_space<semaphore_mem>>) {add = true}
      %dma_wait3A_484 = arith.constant 0 : i32
      %dma_wait3A_485 = tpu.memref_slice %arg7[%dma_wait3A_484] : memref<2000xi32, #tpu.memory_space<vmem>> -> memref<80xi32, #tpu.memory_space<vmem>>
      %dma_wait3A_486 = arith.constant 0 : i32
      %dma_wait3A_487 = arith.constant 0 : i32
      %dma_wait3A_488 = tpu.memref_slice %arg11[%dma_wait3A_486, %dma_wait3A_487] : memref<10240x144xf32, #tpu.memory_space<vmem_shared>> -> memref<10240x144xf32, #tpu.memory_space<vmem_shared>>
      tpu.wait_indirect_dma semaphore(%arg15 : memref<!tpu.dma_semaphore, #tpu.memory_space<semaphore_mem>>) src(%arg10 : memref<80x144xf32, #tpu.memory_space<vmem>>) dst(%dma_wait3A_488 : memref<10240x144xf32, #tpu.memory_space<vmem_shared>>)
      %add3A_489 = arith.constant 2 : i32
      %add3A_490 = arith.addi %add3A_446, %add3A_489 : i32
      %mul3A_491 = arith.constant 80 : i32
      %mul3A_492 = arith.muli %add3A_490, %mul3A_491 : i32
      %dma_start3A_493 = tpu.memref_slice %arg5[%mul3A_492] : memref<2000xi32, #tpu.memory_space<vmem>> -> memref<80xi32, #tpu.memory_space<vmem>>
      %dma_start3A_494 = arith.constant 0 : i32
      %dma_start3A_495 = arith.constant 0 : i32
      %dma_start3A_496 = tpu.memref_slice %arg2[%dma_start3A_494, %dma_start3A_495] : memref<10000x144xf32, #tpu.memory_space<hbm>> -> memref<10000x144xf32, #tpu.memory_space<hbm>>
      tpu.enqueue_indirect_dma source(%dma_start3A_496 : memref<10000x144xf32, #tpu.memory_space<hbm>>) target(%arg10 : memref<80x144xf32, #tpu.memory_space<vmem>>) offsets(%dma_start3A_493 : memref<80xi32, #tpu.memory_space<vmem>>) semaphore(%arg13 : memref<!tpu.dma_semaphore, #tpu.memory_space<semaphore_mem>>)
    }
    %scan3A_391 = arith.constant 11 : i32
    %dma_wait3A_392 = arith.constant 0 : i32
    %dma_wait3A_393 = tpu.memref_slice %arg5[%dma_wait3A_392] : memref<2000xi32, #tpu.memory_space<vmem>> -> memref<80xi32, #tpu.memory_space<vmem>>
    %dma_wait3A_394 = arith.constant 0 : i32
    %dma_wait3A_395 = arith.constant 0 : i32
    %dma_wait3A_396 = tpu.memref_slice %arg2[%dma_wait3A_394, %dma_wait3A_395] : memref<10000x144xf32, #tpu.memory_space<hbm>> -> memref<10000x144xf32, #tpu.memory_space<hbm>>
    tpu.wait_indirect_dma semaphore(%arg13 : memref<!tpu.dma_semaphore, #tpu.memory_space<semaphore_mem>>) src(%dma_wait3A_396 : memref<10000x144xf32, #tpu.memory_space<hbm>>) dst(%arg10 : memref<80x144xf32, #tpu.memory_space<vmem>>)
    %dma_start3A_397 = arith.constant 1840 : i32
    %dma_start3A_398 = tpu.memref_slice %arg7[%dma_start3A_397] : memref<2000xi32, #tpu.memory_space<vmem>> -> memref<80xi32, #tpu.memory_space<vmem>>
    %dma_start3A_399 = arith.constant 0 : i32
    %dma_start3A_400 = arith.constant 0 : i32
    %dma_start3A_401 = tpu.memref_slice %arg11[%dma_start3A_399, %dma_start3A_400] : memref<10240x144xf32, #tpu.memory_space<vmem_shared>> -> memref<10240x144xf32, #tpu.memory_space<vmem_shared>>
    tpu.enqueue_indirect_dma source(%arg10 : memref<80x144xf32, #tpu.memory_space<vmem>>) target(%dma_start3A_401 : memref<10240x144xf32, #tpu.memory_space<vmem_shared>>) offsets(%dma_start3A_398 : memref<80xi32, #tpu.memory_space<vmem>>) semaphore(%arg15 : memref<!tpu.dma_semaphore, #tpu.memory_space<semaphore_mem>>) {add = true}
    %dma_wait3A_402 = arith.constant 0 : i32
    %dma_wait3A_403 = tpu.memref_slice %arg7[%dma_wait3A_402] : memref<2000xi32, #tpu.memory_space<vmem>> -> memref<80xi32, #tpu.memory_space<vmem>>
    %dma_wait3A_404 = arith.constant 0 : i32
    %dma_wait3A_405 = arith.constant 0 : i32
    %dma_wait3A_406 = tpu.memref_slice %arg11[%dma_wait3A_404, %dma_wait3A_405] : memref<10240x144xf32, #tpu.memory_space<vmem_shared>> -> memref<10240x144xf32, #tpu.memory_space<vmem_shared>>
    tpu.wait_indirect_dma semaphore(%arg14 : memref<!tpu.dma_semaphore, #tpu.memory_space<semaphore_mem>>) src(%arg9 : memref<80x144xf32, #tpu.memory_space<vmem>>) dst(%dma_wait3A_406 : memref<10240x144xf32, #tpu.memory_space<vmem_shared>>)
    %dma_start3A_407 = arith.constant 1920 : i32
    %dma_start3A_408 = tpu.memref_slice %arg5[%dma_start3A_407] : memref<2000xi32, #tpu.memory_space<vmem>> -> memref<80xi32, #tpu.memory_space<vmem>>
    %dma_start3A_409 = arith.constant 0 : i32
    %dma_start3A_410 = arith.constant 0 : i32
    %dma_start3A_411 = tpu.memref_slice %arg2[%dma_start3A_409, %dma_start3A_410] : memref<10000x144xf32, #tpu.memory_space<hbm>> -> memref<10000x144xf32, #tpu.memory_space<hbm>>
    tpu.enqueue_indirect_dma source(%dma_start3A_411 : memref<10000x144xf32, #tpu.memory_space<hbm>>) target(%arg9 : memref<80x144xf32, #tpu.memory_space<vmem>>) offsets(%dma_start3A_408 : memref<80xi32, #tpu.memory_space<vmem>>) semaphore(%arg12 : memref<!tpu.dma_semaphore, #tpu.memory_space<semaphore_mem>>)
    %dma_wait3A_412 = arith.constant 0 : i32
    %dma_wait3A_413 = tpu.memref_slice %arg5[%dma_wait3A_412] : memref<2000xi32, #tpu.memory_space<vmem>> -> memref<80xi32, #tpu.memory_space<vmem>>
    %dma_wait3A_414 = arith.constant 0 : i32
    %dma_wait3A_415 = arith.constant 0 : i32
    %dma_wait3A_416 = tpu.memref_slice %arg2[%dma_wait3A_414, %dma_wait3A_415] : memref<10000x144xf32, #tpu.memory_space<hbm>> -> memref<10000x144xf32, #tpu.memory_space<hbm>>
    tpu.wait_indirect_dma semaphore(%arg12 : memref<!tpu.dma_semaphore, #tpu.memory_space<semaphore_mem>>) src(%dma_wait3A_416 : memref<10000x144xf32, #tpu.memory_space<hbm>>) dst(%arg9 : memref<80x144xf32, #tpu.memory_space<vmem>>)
    %dma_start3A_417 = arith.constant 1920 : i32
    %dma_start3A_418 = tpu.memref_slice %arg7[%dma_start3A_417] : memref<2000xi32, #tpu.memory_space<vmem>> -> memref<80xi32, #tpu.memory_space<vmem>>
    %dma_start3A_419 = arith.constant 0 : i32
    %dma_start3A_420 = arith.constant 0 : i32
    %dma_start3A_421 = tpu.memref_slice %arg11[%dma_start3A_419, %dma_start3A_420] : memref<10240x144xf32, #tpu.memory_space<vmem_shared>> -> memref<10240x144xf32, #tpu.memory_space<vmem_shared>>
    tpu.enqueue_indirect_dma source(%arg9 : memref<80x144xf32, #tpu.memory_space<vmem>>) target(%dma_start3A_421 : memref<10240x144xf32, #tpu.memory_space<vmem_shared>>) offsets(%dma_start3A_418 : memref<80xi32, #tpu.memory_space<vmem>>) semaphore(%arg14 : memref<!tpu.dma_semaphore, #tpu.memory_space<semaphore_mem>>) {add = true}
    %dma_wait3A_422 = arith.constant 0 : i32
    %dma_wait3A_423 = tpu.memref_slice %arg7[%dma_wait3A_422] : memref<2000xi32, #tpu.memory_space<vmem>> -> memref<80xi32, #tpu.memory_space<vmem>>
    %dma_wait3A_424 = arith.constant 0 : i32
    %dma_wait3A_425 = arith.constant 0 : i32
    %dma_wait3A_426 = tpu.memref_slice %arg11[%dma_wait3A_424, %dma_wait3A_425] : memref<10240x144xf32, #tpu.memory_space<vmem_shared>> -> memref<10240x144xf32, #tpu.memory_space<vmem_shared>>
    tpu.wait_indirect_dma semaphore(%arg15 : memref<!tpu.dma_semaphore, #tpu.memory_space<semaphore_mem>>) src(%arg10 : memref<80x144xf32, #tpu.memory_space<vmem>>) dst(%dma_wait3A_426 : memref<10240x144xf32, #tpu.memory_space<vmem_shared>>)
    %dma_wait3A_427 = arith.constant 0 : i32
    %dma_wait3A_428 = tpu.memref_slice %arg7[%dma_wait3A_427] : memref<2000xi32, #tpu.memory_space<vmem>> -> memref<80xi32, #tpu.memory_space<vmem>>
    %dma_wait3A_429 = arith.constant 0 : i32
    %dma_wait3A_430 = arith.constant 0 : i32
    %dma_wait3A_431 = tpu.memref_slice %arg11[%dma_wait3A_429, %dma_wait3A_430] : memref<10240x144xf32, #tpu.memory_space<vmem_shared>> -> memref<10240x144xf32, #tpu.memory_space<vmem_shared>>
    tpu.wait_indirect_dma semaphore(%arg14 : memref<!tpu.dma_semaphore, #tpu.memory_space<semaphore_mem>>) src(%arg9 : memref<80x144xf32, #tpu.memory_space<vmem>>) dst(%dma_wait3A_431 : memref<10240x144xf32, #tpu.memory_space<vmem_shared>>)
    %barrier3A_432 = arith.constant 0 : index
    tpu.barrier barrier_id(%barrier3A_432)
    %scan3A_433 = arith.constant 0 : i32
    %scan3A_434 = arith.constant 4 : i32
    %scan3A_435 = arith.addi %scan3A_433, %scan3A_434 : i32
    %scan3A_436 = arith.constant 1 : i32
    scf.for %scan3A_438 = %scan3A_433 to %scan3A_435 step %scan3A_436  : i32 {
      %mul3A_439 = arith.constant 1 : i32
      %mul3A_440 = arith.muli %scan3A_438, %mul3A_439 : i32
      %add3A_441 = arith.constant 0 : i32
      %add3A_442 = arith.addi %add3A_441, %mul3A_440 : i32
      %mul3A_443 = arith.constant 2 : i32
      %mul3A_444 = arith.muli %mul3A_443, %add3A_442 : i32
      %mul3A_445 = arith.constant 80 : i32
      %mul3A_446 = arith.muli %mul3A_444, %mul3A_445 : i32
      %add3A_447 = arith.addi %mul3A_17, %mul3A_446 : i32
      %mul3A_448 = arith.constant 2 : i32
      %mul3A_449 = arith.muli %mul3A_448, %add3A_442 : i32
      %add3A_450 = arith.constant 1 : i32
      %add3A_451 = arith.addi %mul3A_449, %add3A_450 : i32
      %mul3A_452 = arith.constant 80 : i32
      %mul3A_453 = arith.muli %add3A_451, %mul3A_452 : i32
      %add3A_454 = arith.addi %mul3A_17, %mul3A_453 : i32
      "tpu.region"() ({
        %run_scoped3A = tpu.sem_alloc : memref<!tpu.dma_semaphore, #tpu.memory_space<semaphore_mem>>
        %dma_start3A_479 = arith.constant 0 : i32
        %dma_start3A_480 = tpu.memref_slice %arg11[%add3A_447, %dma_start3A_479] : memref<10240x144xf32, #tpu.memory_space<vmem_shared>> -> memref<80x144xf32, #tpu.memory_space<vmem_shared>>
        %dma_start3A_481 = arith.constant 0 : i32
        %dma_start3A_482 = tpu.memref_slice %arg11[%add3A_447, %dma_start3A_481] : memref<10240x144xf32, #tpu.memory_space<vmem_shared>> -> memref<80x144xf32, #tpu.memory_space<vmem_shared>>
        tpu.enqueue_dma source(%dma_start3A_482 : memref<80x144xf32, #tpu.memory_space<vmem_shared>>) target(%arg9 : memref<80x144xf32, #tpu.memory_space<vmem>>) target_semaphore(%run_scoped3A : memref<!tpu.dma_semaphore, #tpu.memory_space<semaphore_mem>>)
        %dma_wait3A_483 = arith.constant 0 : i32
        %dma_wait3A_484 = tpu.memref_slice %arg11[%add3A_447, %dma_wait3A_483] : memref<10240x144xf32, #tpu.memory_space<vmem_shared>> -> memref<80x144xf32, #tpu.memory_space<vmem_shared>>
        %dma_wait3A_485 = arith.constant 0 : i32
        %dma_wait3A_486 = tpu.memref_slice %arg11[%add3A_447, %dma_wait3A_485] : memref<10240x144xf32, #tpu.memory_space<vmem_shared>> -> memref<80x144xf32, #tpu.memory_space<vmem_shared>>
        tpu.wait_dma2 semaphore(%run_scoped3A : memref<!tpu.dma_semaphore, #tpu.memory_space<semaphore_mem>>) src(%dma_wait3A_486 : memref<80x144xf32, #tpu.memory_space<vmem_shared>>) dst(%arg9 : memref<80x144xf32, #tpu.memory_space<vmem>>)
        tpu.yield
      }) : () -> ()
      %dma_start3A_455 = arith.constant 0 : i32
      %dma_start3A_456 = tpu.memref_slice %arg4[%arg0, %add3A_447, %dma_start3A_455] : memref<2x10240x144xf32, #tpu.memory_space<hbm>> -> memref<1x80x144xf32, #tpu.memory_space<hbm>>
      %dma_start3A_457 = tpu.memref_squeeze %dma_start3A_456 : memref<1x80x144xf32, #tpu.memory_space<hbm>> -> memref<80x144xf32, #tpu.memory_space<hbm>>
      %dma_start3A_458 = arith.constant 0 : i32
      %dma_start3A_459 = tpu.memref_slice %arg4[%arg0, %add3A_447, %dma_start3A_458] : memref<2x10240x144xf32, #tpu.memory_space<hbm>> -> memref<1x80x144xf32, #tpu.memory_space<hbm>>
      %dma_start3A_460 = tpu.memref_squeeze %dma_start3A_459 : memref<1x80x144xf32, #tpu.memory_space<hbm>> -> memref<80x144xf32, #tpu.memory_space<hbm>>
      tpu.enqueue_dma source(%arg9 : memref<80x144xf32, #tpu.memory_space<vmem>>) target(%dma_start3A_460 : memref<80x144xf32, #tpu.memory_space<hbm>>) target_semaphore(%arg12 : memref<!tpu.dma_semaphore, #tpu.memory_space<semaphore_mem>>)
      "tpu.region"() ({
        %run_scoped3A = tpu.sem_alloc : memref<!tpu.dma_semaphore, #tpu.memory_space<semaphore_mem>>
        %dma_start3A_479 = arith.constant 0 : i32
        %dma_start3A_480 = tpu.memref_slice %arg11[%add3A_454, %dma_start3A_479] : memref<10240x144xf32, #tpu.memory_space<vmem_shared>> -> memref<80x144xf32, #tpu.memory_space<vmem_shared>>
        %dma_start3A_481 = arith.constant 0 : i32
        %dma_start3A_482 = tpu.memref_slice %arg11[%add3A_454, %dma_start3A_481] : memref<10240x144xf32, #tpu.memory_space<vmem_shared>> -> memref<80x144xf32, #tpu.memory_space<vmem_shared>>
        tpu.enqueue_dma source(%dma_start3A_482 : memref<80x144xf32, #tpu.memory_space<vmem_shared>>) target(%arg10 : memref<80x144xf32, #tpu.memory_space<vmem>>) target_semaphore(%run_scoped3A : memref<!tpu.dma_semaphore, #tpu.memory_space<semaphore_mem>>)
        %dma_wait3A_483 = arith.constant 0 : i32
        %dma_wait3A_484 = tpu.memref_slice %arg11[%add3A_454, %dma_wait3A_483] : memref<10240x144xf32, #tpu.memory_space<vmem_shared>> -> memref<80x144xf32, #tpu.memory_space<vmem_shared>>
        %dma_wait3A_485 = arith.constant 0 : i32
        %dma_wait3A_486 = tpu.memref_slice %arg11[%add3A_454, %dma_wait3A_485] : memref<10240x144xf32, #tpu.memory_space<vmem_shared>> -> memref<80x144xf32, #tpu.memory_space<vmem_shared>>
        tpu.wait_dma2 semaphore(%run_scoped3A : memref<!tpu.dma_semaphore, #tpu.memory_space<semaphore_mem>>) src(%dma_wait3A_486 : memref<80x144xf32, #tpu.memory_space<vmem_shared>>) dst(%arg10 : memref<80x144xf32, #tpu.memory_space<vmem>>)
        tpu.yield
      }) : () -> ()
      %dma_start3A_461 = arith.constant 0 : i32
      %dma_start3A_462 = tpu.memref_slice %arg4[%arg0, %add3A_454, %dma_start3A_461] : memref<2x10240x144xf32, #tpu.memory_space<hbm>> -> memref<1x80x144xf32, #tpu.memory_space<hbm>>
      %dma_start3A_463 = tpu.memref_squeeze %dma_start3A_462 : memref<1x80x144xf32, #tpu.memory_space<hbm>> -> memref<80x144xf32, #tpu.memory_space<hbm>>
      %dma_start3A_464 = arith.constant 0 : i32
      %dma_start3A_465 = tpu.memref_slice %arg4[%arg0, %add3A_454, %dma_start3A_464] : memref<2x10240x144xf32, #tpu.memory_space<hbm>> -> memref<1x80x144xf32, #tpu.memory_space<hbm>>
      %dma_start3A_466 = tpu.memref_squeeze %dma_start3A_465 : memref<1x80x144xf32, #tpu.memory_space<hbm>> -> memref<80x144xf32, #tpu.memory_space<hbm>>
      tpu.enqueue_dma source(%arg10 : memref<80x144xf32, #tpu.memory_space<vmem>>) target(%dma_start3A_466 : memref<80x144xf32, #tpu.memory_space<hbm>>) target_semaphore(%arg13 : memref<!tpu.dma_semaphore, #tpu.memory_space<semaphore_mem>>)
      %dma_wait3A_467 = arith.constant 0 : i32
      %dma_wait3A_468 = tpu.memref_slice %arg4[%arg0, %add3A_447, %dma_wait3A_467] : memref<2x10240x144xf32, #tpu.memory_space<hbm>> -> memref<1x80x144xf32, #tpu.memory_space<hbm>>
      %dma_wait3A_469 = tpu.memref_squeeze %dma_wait3A_468 : memref<1x80x144xf32, #tpu.memory_space<hbm>> -> memref<80x144xf32, #tpu.memory_space<hbm>>
      %dma_wait3A_470 = arith.constant 0 : i32
      %dma_wait3A_471 = tpu.memref_slice %arg4[%arg0, %add3A_447, %dma_wait3A_470] : memref<2x10240x144xf32, #tpu.memory_space<hbm>> -> memref<1x80x144xf32, #tpu.memory_space<hbm>>
      %dma_wait3A_472 = tpu.memref_squeeze %dma_wait3A_471 : memref<1x80x144xf32, #tpu.memory_space<hbm>> -> memref<80x144xf32, #tpu.memory_space<hbm>>
      tpu.wait_dma2 semaphore(%arg12 : memref<!tpu.dma_semaphore, #tpu.memory_space<semaphore_mem>>) src(%arg9 : memref<80x144xf32, #tpu.memory_space<vmem>>) dst(%dma_wait3A_472 : memref<80x144xf32, #tpu.memory_space<hbm>>)
      %dma_wait3A_473 = arith.constant 0 : i32
      %dma_wait3A_474 = tpu.memref_slice %arg4[%arg0, %add3A_454, %dma_wait3A_473] : memref<2x10240x144xf32, #tpu.memory_space<hbm>> -> memref<1x80x144xf32, #tpu.memory_space<hbm>>
      %dma_wait3A_475 = tpu.memref_squeeze %dma_wait3A_474 : memref<1x80x144xf32, #tpu.memory_space<hbm>> -> memref<80x144xf32, #tpu.memory_space<hbm>>
      %dma_wait3A_476 = arith.constant 0 : i32
      %dma_wait3A_477 = tpu.memref_slice %arg4[%arg0, %add3A_454, %dma_wait3A_476] : memref<2x10240x144xf32, #tpu.memory_space<hbm>> -> memref<1x80x144xf32, #tpu.memory_space<hbm>>
      %dma_wait3A_478 = tpu.memref_squeeze %dma_wait3A_477 : memref<1x80x144xf32, #tpu.memory_space<hbm>> -> memref<80x144xf32, #tpu.memory_space<hbm>>
      tpu.wait_dma2 semaphore(%arg13 : memref<!tpu.dma_semaphore, #tpu.memory_space<semaphore_mem>>) src(%arg10 : memref<80x144xf32, #tpu.memory_space<vmem>>) dst(%dma_wait3A_478 : memref<80x144xf32, #tpu.memory_space<hbm>>)
    }
    %scan3A_437 = arith.constant 4 : i32
    return
  }
}

module attributes {stable_mosaic.version = 14 : i64} {
  func.func @_tc_finish_body(%arg0: memref<2x10240x144xf32, #tpu.memory_space<vmem>>, %arg1: memref<128x128xf32, #tpu.memory_space<vmem>>, %arg2: memref<10000x128xf32, #tpu.memory_space<vmem>>) attributes {dimension_semantics = [], scalar_prefetch = 0 : i64, scratch_operands = 0 : i64, tpu.core_type = #tpu.core_type<tc>} {
    %get3A = arith.constant 0 : index
    %get3A_0 = arith.constant 0 : index
    %get3A_1 = arith.constant 0 : index
    %get3A_2 = vector.load %arg0[%get3A, %get3A_0, %get3A_1] : memref<2x10240x144xf32, #tpu.memory_space<vmem>>, vector<1x10000x128xf32>
    %get3A_3 = vector.shape_cast %get3A_2 : vector<1x10000x128xf32> to vector<10000x128xf32>
    %get3A_4 = arith.constant 1 : index
    %get3A_5 = arith.constant 0 : index
    %get3A_6 = arith.constant 0 : index
    %get3A_7 = vector.load %arg0[%get3A_4, %get3A_5, %get3A_6] : memref<2x10240x144xf32, #tpu.memory_space<vmem>>, vector<1x10000x128xf32>
    %get3A_8 = vector.shape_cast %get3A_7 : vector<1x10000x128xf32> to vector<10000x128xf32>
    %add3A = arith.addf %get3A_3, %get3A_8 : vector<10000x128xf32>
    %get3A_9 = arith.constant 0 : index
    %get3A_10 = arith.constant 0 : index
    %get3A_11 = arith.constant 128 : index
    %get3A_12 = vector.load %arg0[%get3A_9, %get3A_10, %get3A_11] : memref<2x10240x144xf32, #tpu.memory_space<vmem>>, vector<1x10000x1xf32>
    %get3A_13 = vector.shape_cast %get3A_12 : vector<1x10000x1xf32> to vector<10000x1xf32>
    %get3A_14 = arith.constant 1 : index
    %get3A_15 = arith.constant 0 : index
    %get3A_16 = arith.constant 128 : index
    %get3A_17 = vector.load %arg0[%get3A_14, %get3A_15, %get3A_16] : memref<2x10240x144xf32, #tpu.memory_space<vmem>>, vector<1x10000x1xf32>
    %get3A_18 = vector.shape_cast %get3A_17 : vector<1x10000x1xf32> to vector<10000x1xf32>
    %add3A_19 = arith.addf %get3A_13, %get3A_18 : vector<10000x1xf32>
    %max3A = arith.constant 1.000000e+00 : f32
    %max3A_20 = vector.broadcast %max3A : f32 to vector<10000x1xf32>
    %max3A_21 = arith.maximumf %add3A_19, %max3A_20 : vector<10000x1xf32>
    %div3A = vector.broadcast %max3A_21 : vector<10000x1xf32> to vector<10000x128xf32>
    %div3A_22 = arith.divf %add3A, %div3A : vector<10000x128xf32>
    %get3A_23 = arith.constant 0 : index
    %get3A_24 = arith.constant 0 : index
    %get3A_25 = vector.load %arg1[%get3A_23, %get3A_24] : memref<128x128xf32, #tpu.memory_space<vmem>>, vector<128x128xf32>
    %dot_general3A = arith.constant dense<0.000000e+00> : vector<10000x128xf32>
    %dot_general3A_26 = tpu.matmul %div3A_22, %get3A_25, %dot_general3A {dimension_numbers = #tpu.dot_dimension_numbers<[1], [1], [0], [0], [0, 0, 1, 0], [], []>, transpose_lhs_hint = false} : vector<10000x128xf32>, vector<128x128xf32>, vector<10000x128xf32> -> vector<10000x128xf32>
    %swap3A = arith.constant 0 : index
    %swap3A_27 = arith.constant 0 : index
    %swap3A_28 = vector.load %arg2[%swap3A, %swap3A_27] : memref<10000x128xf32, #tpu.memory_space<vmem>>, vector<10000x128xf32>
    tpu.vector_store %arg2[%swap3A, %swap3A_27], %dot_general3A_26 {strides = array<i32>} : memref<10000x128xf32, #tpu.memory_space<vmem>>, vector<10000x128xf32>,
    return
  }
}

</mosaic_0001>

<sc_bundles>
// kernel: kernel.4.cloned.1.call-start
scs
__scs_entry_jumppad:
0x0: {  	(pc) =	sbr.rel $0x88, $3  }
0x1: {  	(tag) =	ssettag $0x0;
	lr =	simm.s32 $0x1  }
0x2: {  	[smem:$0x3F9E] =	sst lr;
	_ =	strace $0xD0000000  }
0x3: {  	_ = 	snop  }
0x4: {  	_ = 	snop  }
0x5: {  	_ = 	snop  }
0x6: {  	_ = 	snop  }
0x7: {  	_ = 	snop  }
__scs_overlays_trampoline_lowered:
0x8: {  	[smem:$0x3FAD] =	sst s0  }
0x9: {  	[smem:$0x3FAE] =	sst s1  }
0xa: {  	[smem:$0x3FAF] =	sst s2  }
0xb: {  	[smem:$0x3FB0] =	sst s3  }
0xc: {  	[smem:$0x3FB1] =	sst s4  }
0xd: {  	[smem:$0x3FB2] =	sst s5  }
0xe: {  	[smem:$0x3FB3] =	sst s6  }
0xf: {  	[smem:$0x3FB4] =	sst s7  }
0x10: {  	[smem:$0x3FB5] =	sst s8  }
0x11: {  	[smem:$0x3FB6] =	sst s9;
	s0 =	simm.s32 @!p0 $0x0  }
0x12: {  	s1 =	sld [smem:$0x3F9C];
	s0 =	simm.s32 @p0 $0x1  }
0x13: {  	[smem:$0x3FB7] =	sst s0;
	s0 =	simm.s32 @!p1 $0x0  }
0x14: {  	s2 =	sld [smem:$0x3F9B];
	s0 =	simm.s32 @p1 $0x1  }
0x15: {  	[smem:$0x3FB8] =	sst s0;
	s0 =	simm.s32 @!p2 $0x0  }
0x16: {  	s3 =	sld [smem:$0x3FDB];
	s0 =	simm.s32 @p2 $0x1  }
0x17: {  	s4 =	simm.s32 $0x1BF5;
	[smem:$0x3FBA] =	sst s0  }
0x18: {  	s0 =	sld [smem:$0x3F9D];
	_ =	swait.ge [sflag:s4], $0x0  }
0x19: {  	s7 =	sld [smem:$0x3F9E]  }
0x1a: {  	s8 =	sadd.s32 $0xFFFFE003, lr  }
0x1b: {  	s9 =	sadd.s32 $0xFFFFFEF7, lr;
	s5 =	simm.s32 $0xFFFFFFFF;
	p2 =	slt.u32 s8, $0xFFFFF086  }
0x1c: {  	p1 =	slt.u32 s9, $0xF7A;
	s5 =	simm.s32 @!p2 $0x0  }
0x1d: {  	s5 =	simm.s32 @p1 $0x1;
	p0 =	seq.s32 s7, s2  }
0x1e: {  	s7 =	smul.u32 @!p0 $0xF7A, s2;
	p2 =	seq.s32 @!p0 s5, $0x0  }
0x1f: {  	s9 =	smul.u32 $0xF7A, s1;
	s8 =	simm.s32 @!p0 $0x1BF5;
	p2 =	por !p2, p0  }
0x20: {  	[sflag:s8] =	ssyncset.s32 @!p0 $0xFFFFF086;
	s6 =	sadd.s32 @!p0 s3, s7;
	s7 =	simm.s32 @!p0 $0x108  }
0x21: {  	s3 =	sadd.s32 s3, s9;
	s6 =	sadd.s32 @!p0 $0x88, s6;
	s7 =	simm.s32 @p2 $0x1082  }
0x22: {  	[simem:s7], [sflag:s8] =	dma.local @!p0 [hbm:s6], $0xF7A  }
0x23: {  	s9 =	sor.u32 $0xD0000000, s2;
	s6 =	simm.s32 $0x108;
	_ =	swait.ge @!p0 [sflag:s8], $0x0  }
0x24: {  	s3 =	sadd.s32 $0x88, s3;
	s6 =	simm.s32 @!p1 $0x1082;
	[sflag:s4] =	ssyncset.s32 $0xFFFFF086  }
0x25: {  	[simem:s6], [sflag:s4] =	dma.local [hbm:s3], $0xF7A  }
0x26: {  	[smem:$0x3F9E] =	sst s1;
	(tag) =	ssettag s2;
	_ =	strace s9  }
0x27: {  	s1 =	sld [smem:$0x3FAE]  }
0x28: {  	s2 =	sld [smem:$0x3FAF]  }
0x29: {  	s4 =	sld [smem:$0x3FB1]  }
0x2a: {  	p0 =	seq.s32 s5, $0x0;
	s5 =	sld [smem:$0x3FB2]  }
0x2b: {  	s6 =	sld [smem:$0x3FB3]  }
0x2c: {  	s7 =	sld [smem:$0x3FB4]  }
0x2d: {  	s3 =	simm.s32 $0x108;
	s8 =	sld [smem:$0x3FB5]  }
0x2e: {  	s3 =	simm.s32 @!p0 $0x1082;
	s9 =	sld [smem:$0x3FB6]  }
0x2f: {  	lr =	sadd.s32 s0, s3;
	s0 =	sld [smem:$0x3FAD]  }
0x30: {  	s3 =	sld [smem:$0x3FB0]  }
0x31: {  	[smem:$0x3FB9] =	sst s10  }
0x32: {  	s10 =	sld [smem:$0x3FB7];
	_ =	sdelay $0x3  }
0x33: {  	p0 =	seq.s32 s10, $0x1;
	s10 =	sld [smem:$0x3FB9];
	_ =	sdelay $0x3  }
0x34: {  	[smem:$0x3FB9] =	sst s10  }
0x35: {  	s10 =	sld [smem:$0x3FB8];
	_ =	sdelay $0x3  }
0x36: {  	p1 =	seq.s32 s10, $0x1;
	s10 =	sld [smem:$0x3FB9];
	_ =	sdelay $0x3  }
0x37: {  	[smem:$0x3FB9] =	sst s10  }
0x38: {  	s10 =	sld [smem:$0x3FBA]  }
0x39: {  	_ = 	snop;
	(pc) =	sbr.ind lr, $3  }
0x3a: {  	_ = 	snop  }
0x3b: {  	_ = 	snop  }
0x3c: {  	p2 =	seq.s32 s10, $0x1;
	s10 =	sld [smem:$0x3FB9]  }
0x3d: {  	_ =	shalt  }
0x3e: {  	_ =	shalt  }
0x3f: {  	_ =	shalt  }
0x40: {  	_ =	shalt  }
0x41: {  	_ =	shalt  }
0x42: {  	_ =	shalt  }
0x43: {  	_ =	shalt  }
0x44: {  	_ =	shalt  }
0x45: {  	_ =	shalt  }
0x46: {  	_ =	shalt  }
0x47: {  	_ =	shalt  }
0x48: {  	_ =	shalt  }
0x49: {  	_ =	shalt  }
0x4a: {  	_ =	shalt  }
0x4b: {  	_ =	shalt  }
0x4c: {  	_ =	shalt  }
0x4d: {  	_ =	shalt  }
0x4e: {  	_ =	shalt  }
0x4f: {  	_ =	shalt  }
0x50: {  	_ =	shalt  }
0x51: {  	_ =	shalt  }
0x52: {  	_ =	shalt  }
0x53: {  	_ =	shalt  }
0x54: {  	_ =	shalt  }
0x55: {  	_ =	shalt  }
0x56: {  	_ =	shalt  }
0x57: {  	_ =	shalt  }
0x58: {  	_ =	shalt  }
0x59: {  	_ =	shalt  }
0x5a: {  	_ =	shalt  }
0x5b: {  	_ =	shalt  }
0x5c: {  	_ =	shalt  }
0x5d: {  	_ =	shalt  }
0x5e: {  	_ =	shalt  }
0x5f: {  	_ =	shalt  }
0x60: {  	_ =	shalt  }
0x61: {  	_ =	shalt  }
0x62: {  	_ =	shalt  }
0x63: {  	_ =	shalt  }
0x64: {  	_ =	shalt  }
0x65: {  	_ =	shalt  }
0x66: {  	_ =	shalt  }
0x67: {  	_ =	shalt  }
0x68: {  	_ =	shalt  }
0x69: {  	_ =	shalt  }
0x6a: {  	_ =	shalt  }
0x6b: {  	_ =	shalt  }
0x6c: {  	_ =	shalt  }
0x6d: {  	_ =	shalt  }
0x6e: {  	_ =	shalt  }
0x6f: {  	_ =	shalt  }
0x70: {  	_ =	shalt  }
0x71: {  	_ =	shalt  }
0x72: {  	_ =	shalt  }
0x73: {  	_ =	shalt  }
0x74: {  	_ =	shalt  }
0x75: {  	_ =	shalt  }
0x76: {  	_ =	shalt  }
0x77: {  	_ =	shalt  }
0x78: {  	_ =	shalt  }
0x79: {  	_ =	shalt  }
0x7a: {  	_ =	shalt  }
0x7b: {  	_ =	shalt  }
0x7c: {  	_ =	shalt  }
0x7d: {  	_ =	shalt  }
0x7e: {  	_ =	shalt  }
0x7f: {  	_ =	shalt  }
0x80: {  	_ =	shalt  }
0x81: {  	_ =	shalt  }
0x82: {  	_ =	shalt  }
0x83: {  	_ =	shalt  }
0x84: {  	_ =	shalt  }
0x85: {  	_ =	shalt  }
0x86: {  	_ =	shalt  }
0x87: {  	_ =	shalt  }
.Lfunc_end0:
.L_simem_size_0:
called_computation_lowered:
.L_overlay_start_0:
0x88: {  	s2 =	sld [smem:$0x3FD9]  }
0x89: {  	s3 =	sld [smem:$0x3FFE];
	_ =	sdelay $0x1  }
0x8a: {  	s1 =	srdreg.scid  }
0x8b: {  	s0 =	sand.u32 $0x1, s1  }
0x8c: {  	s17 =	sshll.u32 s0, $0xA;
	s2 =	sadd.s32 s3, s2  }
0x8d: {  	s2 =	sadd.s32 s2, s17  }
0x8e: {  	[smem:$0x3FC5] =	sst s2  }
0x8f: {  	_ = 	snop  }
0x90: {  	s2 =	sld [smem:$0x3FD0];
	(tm) =	ssettm $0x1  }
0x91: {  	s18 =	sld [smem:$0x3FFB];
	_ =	sdelay $0x3  }
0x92: {  	_ =	strace s18  }
0x93: {  	s3 =	sld [smem:$0x3FFC];
	_ =	sdelay $0x3  }
0x94: {  	_ =	strace s3  }
0x95: {  	s3 =	sld [smem:$0x3FFD];
	_ =	sdelay $0x3  }
0x96: {  	_ =	strace s3  }
0x97: {  	_ =	strace $0x8FFFFFFF  }
0x98: {  	s19 =	sld [smem:$0x3FDB];
	_ =	sdelay $0x1  }
0x99: {  	s4 =	simm.s32 $_scs_section_size  }
0x9a: {  	s5 =	simm.s32 $_size__tile_overlayer_lowered;
	s6 =	simm.s32 $_tile_overlayer_lowered  }
0x9b: {  	s22 =	simm.s32 $0x1BFF;
	s21 =	sshll.u32 s6, $0x1;
	s3 =	sadd.s32 s4, s19  }
0x9c: {  	s7 =	simm.s32 $0x0;
	s20 =	sshll.u32 s5, $0x1;
	s5 =	sadd.s32 s21, s3  }
0x9d: {  	[timem:s7], [sflag:s22] =	dma.local [hbm:s5], s20  }
0x9e: {  	_ =	swait.ge [sflag:s22], s20  }
0x9f: {  	s4 =	ssub.s32 $0x0, s20;
	[sflag:s22] =	ssyncset.done $0x0  }
0xa0: {  	[sflag:s22] =	ssyncadd.s32 s4;
	_ =	sdelay $0x1  }
0xa1: {  	s23 =	simm.s32 $0x1B8B  }
0xa2: {  	_ =	swait.ge [sflag:s23], $0x1  }
0xa3: {  	[sflag:s23] =	ssyncset.done $0x0  }
0xa4: {  	s25 =	simm.s32 $0x1B8E;
	s24 =	sld [smem:$0x3FFE];
	[sflag:s23] =	ssyncadd.s32 $0xFFFFFFFF  }
0xa5: {  	s26 =	simm.s32 $execute0_lowered;
	[smem:$0x3FD2] =	sst s25  }
0xa6: {  	s5 =	sshll.u32 s26, $0x1;
	_ =	strace $0x80000046;
	[dreg:$0x1] =	wrdreg $0xFFFFFFFF  }
0xa7: {  	s28 =	simm.s32 $_size_execute0_lowered;
	s3 =	sadd.s32 s3, s5;
	[dreg:$0x0] =	wrdreg $0x0  }
0xa8: {  	s5 =	sshll.u32 s28, $0x1;
	[dreg:$0x2] =	wrdreg s3  }
0xa9: {  	[dreg:$0x3] =	wrdreg s5  }
0xaa: {  	[dreg:$0x4] =	wrdreg $0xC0  }
0xab: {  	_ =	task [dreg:s7], $0x5FFFF  }
0xac: {  	[dreg:$0x1] =	wrdreg $0xFFFFFFFF  }
0xad: {  	[dreg:$0x0] =	wrdreg $0x60  }
0xae: {  	[dreg:$0x2] =	wrdreg s24  }
0xaf: {  	[dreg:$0x3] =	wrdreg s2  }
0xb0: {  	[dreg:$0x4] =	wrdreg $0x79400  }
0xb1: {  	[dreg:$0x5] =	wrdreg $0x9  }
0xb2: {  	_ =	task.clear_ibuf [dreg:s7], $0x6FFFF;
	_ =	strace $0x90000046  }
0xb3: {  	s29 =	simm.s32 $0x9;
	_ =	strace $0x80000048  }
0xb4: {  	_ =	swait.ge [sflag:s29], $0x1  }
0xb5: {  	[sflag:s29] =	ssyncadd.s32 $0xFFFFFFFF  }
0xb6: {  	_ =	strace $0x90000048  }
0xb7: {  	_ =	sfence  }
0xb8: {  	s30 =	sld [smem:$0x0];
	_ =	sdelay $0x2  }
0xb9: {  	s31 =	sshll.u32 s1, $0xD;
	s1 =	sshrl.u32 s1, $0x2  }
0xba: {  	s3 =	sand.u32 $0x4000, s31;
	s1 =	sadd.s32 s1, s30  }
0xbb: {  	s0 =	sor.u32 s3, s0;
	s1 =	sshll.u32 s1, $0x11  }
0xbc: {  	s0 =	sor.u32 s1, s0  }
0xbd: {  	s0 =	sadd.s32 $0x8F2B, s0  }
0xbe: {  	[sflag:s0] =	ssyncadd.remote.s32 $0x1  }
0xbf: {  	_ =	sfence.sel $0xFFFF  }
0xc0: {  	[dreg:$0x0] =	wrdreg $0xFFFFFFFF;
	(pc) =	sbr.abs _section_cstart, $3  }
0xc1: {  	[dreg:$0x1] =	wrdreg $0xFFFFFFFF  }
0xc2: {  	_ =	task.clear_ibuf [dreg:s7], $0x2FFFF;
	_ =	strace $0x9FFFFFFF  }
0xc3: {  	(tm) =	ssettm $0x7FFFFFFF  }
tec
execute0_lowered:
.L_overlay_start_1:
0x0: {  	(tag) =	ssettag $0x1  }
0x1: {  	s0 =	rddreg [dreg:$0x0]  }
0x2: {  	s2 =	rddreg [dreg:$0x1]  }
0x3: {  	s1 =	rddreg [dreg:$0x2]  }
0x4: {  	s3 =	srdreg.scid;
	s11 =	stileid.u32  }
0x5: {  	s28 =	simm.s32 $0x1720;
	s29 =	simm.s32 $0x6;
	s30 =	simm.s32 $0x820  }
0x6: {  	s31 =	simm.s32 $0x1EA0;
	s6 =	sand.u32 $0x1, s3;
	s8 =	smul.u32 $0x280, s11  }
0x7: {  	s3 =	simm.s32 $0x0;
	s10 =	smul.u32 $0x16800, s11;
	s4 =	sshll.u32 s6, $0x4  }
0x8: {  	[smem:$0x7FF] =	sst s3;
	s7 =	ssub.s32 $0x2, s6;
	s26 =	smul.u32 $0x168000, s6  }
0x9: {  	s6 =	smul.u32 $0x5A000, s11;
	s5 =	sor.u32 s11, s4;
	_ =	strace $0x80000047  }
0xa: {  	s4 =	sadd.s32 $0x800, s0;
	s0 =	sadd.s32 $0x2C800, s0;
	s9 =	sshrl.u32 s7, $0x1  }
0xb: {  	s14 =	sadd.s32 s10, s1;
	s8 =	sadd.s32 $0xA0, s8;
	s20 =	sadd.s32 $0xE100, s10  }
0xc: {  	s21 =	sadd.s32 $0x10E00, s10;
	s5 =	smul.u32 $0x2710, s5;
	s7 =	ssub.s32 s7, s9  }
0xd: {  	[dreg:$0x4] =	wrdreg s14;
	s9 =	sadd.s32 $0x2D00, s10;
	s15 =	sadd.s32 s26, s10  }
0xe: {  	s13 =	smul.u32 $0x90, s8;
	s22 =	sadd.s32 s26, s20;
	s24 =	sshrl.u32 s6, $0x2  }
0xf: {  	s25 =	smul.u32 $0x240, s8;
	s12 =	sadd.s32 s26, s9;
	s11 =	sshrl.u32 s15, $0x3  }
0x10: {  	s15 =	sadd.s32 $0xB400, s10;
	s7 =	smax.u32 s7, $0x1;
	s5 =	sshrl.u32 s5, $0x3  }
0x11: {  	s12 =	sshrl.u32 s12, $0x3;
	s11 =	sadd.s32 s0, s11;
	s17 =	sadd.s32 s26, s13  }
0x12: {  	[dreg:$0xd] =	wrdreg s7;
	s7 =	sadd.s32 s9, s1;
	s8 =	sadd.s32 s13, s1  }
0x13: {  	s13 =	sadd.s32 s21, s1;
	s5 =	sadd.s32 s2, s5;
	[dreg:$0x5] =	wrdreg s11  }
0x14: {  	s16 =	sadd.s32 s0, s12;
	s11 =	sadd.s32 $0x8700, s10;
	[dreg:$0x11] =	wrdreg s7  }
0x15: {  	s12 =	sshrl.u32 s17, $0x3;
	s17 =	sadd.s32 s26, s21;
	[dreg:$0x12] =	wrdreg s8  }
0x16: {  	s10 =	sadd.s32 $0x13B00, s10;
	[dreg:$0x16] =	wrdreg s13;
	s13 =	simm.s32 $0xFA0  }
0x17: {  	s7 =	simm.s32 $0x0;
	[dreg:$0x6] =	wrdreg s16;
	s14 =	sadd.s32 s26, s11  }
0x18: {  	s16 =	sadd.s32 s26, s15;
	s12 =	sadd.s32 s0, s12;
	s17 =	sshrl.u32 s17, $0x3  }
0x19: {  	s2 =	sadd.s32 s26, s10;
	s9 =	sadd.s32 s11, s1;
	[dreg:$0x7] =	wrdreg s12  }
0x1a: {  	s26 =	sadd.s32 $0x2D000, s6;
	s11 =	sadd.s32 s15, s1;
	[dreg:$0x13] =	wrdreg s9  }
0x1b: {  	s6 =	sadd.s32 $0x43800, s6;
	s15 =	sadd.s32 $0x9C40, s5;
	[dreg:$0x14] =	wrdreg s11  }
0x1c: {  	s21 =	sadd.s32 $0x2EE, s5;
	s14 =	sshrl.u32 s14, $0x3;
	[dreg:$0x18] =	wrdreg s15  }
0x1d: {  	s19 =	sshrl.u32 s16, $0x3;
	s23 =	sadd.s32 s0, s17;
	[dreg:$0x1d] =	wrdreg s21  }
0x1e: {  	s16 =	sshrl.u32 s22, $0x3;
	s17 =	sadd.s32 $0xFA, s5;
	[dreg:$0xb] =	wrdreg s23  }
0x1f: {  	s2 =	sshrl.u32 s2, $0x3;
	s22 =	sadd.s32 $0x9F2E, s5;
	[dreg:$0x19] =	wrdreg s17  }
0x20: {  	s6 =	sshrl.u32 s6, $0x2;
	s18 =	sadd.s32 s0, s14;
	[dreg:$0x1e] =	wrdreg s22  }
0x21: {  	s15 =	simm.s32 $0x3;
	s12 =	sadd.s32 s0, s19;
	[dreg:$0x8] =	wrdreg s18  }
0x22: {  	s21 =	simm.s32 $0x1;
	s16 =	sadd.s32 s0, s16;
	[dreg:$0x9] =	wrdreg s12  }
0x23: {  	s0 =	sadd.s32 s0, s2;
	s2 =	sshrl.u32 s25, $0x2;
	[dreg:$0xa] =	wrdreg s16  }
0x24: {  	s14 =	sadd.s32 s10, s1;
	s19 =	sadd.s32 $0x1F4, s5;
	[dreg:$0xc] =	wrdreg s0  }
0x25: {  	s23 =	sadd.s32 $0x3E8, s5;
	s17 =	simm.s32 $0x5;
	[dreg:$0x17] =	wrdreg s14  }
0x26: {  	s22 =	simm.s32 $0x4C40;
	s16 =	sadd.s32 s24, s1;
	[dreg:$0x1b] =	wrdreg s19  }
0x27: {  	s0 =	sshrl.u32 s26, $0x2;
	s2 =	sadd.s32 s2, s1;
	[dreg:$0x1f] =	wrdreg s23  }
0x28: {  	s12 =	sadd.s32 s20, s1;
	s18 =	sadd.s32 $0x9D3A, s5;
	[dreg:$0xe] =	wrdreg s2  }
0x29: {  	s20 =	sadd.s32 $0x9E34, s5;
	s24 =	sadd.s32 $0xA028, s5;
	[dreg:$0x15] =	wrdreg s12  }
0x2a: {  	s14 =	simm.s32 $0x1F40;
	s19 =	simm.s32 $0x1770;
	[dreg:$0x1a] =	wrdreg s18  }
0x2b: {  	s23 =	simm.s32 $0x2;
	s0 =	sadd.s32 s0, s1;
	[dreg:$0x1c] =	wrdreg s20  }
0x2c: {  	[smem:$0x7FB] =	sst s24;
	s25 =	sadd.s32 $0x2D00, s16;
	s26 =	sadd.s32 $0x8700, s16  }
0x2d: {  	s11 =	sadd.s32 $0xE100, s16;
	s12 =	sadd.s32 $0x13B00, s16;
	s18 =	simm.s32 $0x7D0  }
0x2e: {  	s20 =	simm.s32 $0x50;
	s24 =	simm.s32 $0x4;
	[dreg:$0xf] =	wrdreg s0  }
0x2f: {  	s2 =	simm.s32 $0x1EF0;
	s0 =	sadd.s32 s6, s1;
	[smem:$0x7FC] =	sst s25  }
0x30: {  	[smem:$0x7FD] =	sst s26;
	s25 =	simm.s32 $0x16D0;
	s26 =	simm.s32 $0x780  }
0x31: {  	v0 =	vimm.f32 $0.0e+00;
	s6 =	simm.s32 $0x7;
	[dreg:$0x10] =	wrdreg s0;
	s0 =	simm.s32 $0xF50  }
.LBB2_1:
0x32: {  	[tilespmem:s3], [sflag:$0x5] =	stream.linear.gather [hbm4b:s5+s3], $0x7D0, $0x38;
	[tilespmem:$0x1E140] =	vst v63  }
0x33: {  	s8 =	rddreg [dreg:$0x18]  }
0x34: {  	[tilespmem:s13], [sflag:$0x5] =	stream.linear.gather [hbm4b:s8+s3], $0x7D0, $0x38;
	[tilespmem:$0x1E140] =	vst v63  }
0x35: {  	s9 =	simm.s32 $0x240;
	s8 =	simm.s32 $0x0  }
.LBB2_2:
0x36: {  	p0 =	sne.s32 s9, $0xB1C0;
	[tilespmem:s8+$0x1FC0] =	vst v0  }
0x37: {  	[tilespmem:s8+$0x1F40] =	vst v0  }
0x38: {  	[tilespmem:s8+$0x1F50] =	vst v0  }
0x39: {  	[tilespmem:s8+$0x1F60] =	vst v0  }
.Ltmp0:
0x3a: {  	[tilespmem:s8+$0x1F70] =	vst v0;
	(pc) =	sbr.rel @p0 .LBB2_2-.Ltmp0, $4  }
0x3b: {  	[tilespmem:s8+$0x1F80] =	vst v0  }
0x3c: {  	[tilespmem:s8+$0x1F90] =	vst v0  }
0x3d: {  	[tilespmem:s8+$0x1FA0] =	vst v0  }
0x3e: {  	[tilespmem:s8+$0x1FB0] =	vst v0;
	s8 =	sshra.s32 s9, $0x2;
	s9 =	sadd.s32 $0x240, s9  }
0x3f: {  	[tilespmem:s8+$0x1FC0] =	vst v0  }
0x40: {  	[tilespmem:s8+$0x1F40] =	vst v0  }
0x41: {  	[tilespmem:s8+$0x1F50] =	vst v0  }
0x42: {  	[tilespmem:s8+$0x1F60] =	vst v0  }
0x43: {  	[tilespmem:s8+$0x1F70] =	vst v0  }
0x44: {  	[tilespmem:s8+$0x1F80] =	vst v0  }
0x45: {  	[tilespmem:s8+$0x1F90] =	vst v0  }
0x46: {  	[tilespmem:s8+$0x1FA0] =	vst v0  }
0x47: {  	[tilespmem:s8+$0x1FB0] =	vst v0;
	s9 =	sld [smem:$0x7FC]  }
0x48: {  	[spmem:s16] =	stream.linear.scatter [tilespmem:s14], [sflag:$0x3], $0x2D00, $0x38;
	[tilespmem:$0x1E140] =	vst v63  }
0x49: {  	s10 =	rddreg [dreg:$0xe]  }
0x4a: {  	[spmem:s9] =	stream.linear.scatter [tilespmem:s14], [sflag:$0x3], $0x2D00, $0x38;
	[tilespmem:$0x1E140] =	vst v63  }
0x4b: {  	s9 =	sld [smem:$0x7FD]  }
0x4c: {  	[spmem:s10] =	stream.linear.scatter [tilespmem:s14], [sflag:$0x3], $0x2D00, $0x38;
	[tilespmem:$0x1E140] =	vst v63  }
0x4d: {  	_ = 	snop  }
0x4e: {  	[spmem:s9] =	stream.linear.scatter [tilespmem:s14], [sflag:$0x3], $0x2D00, $0x38;
	[tilespmem:$0x1E140] =	vst v63  }
0x4f: {  	s10 =	rddreg [dreg:$0xf]  }
0x50: {  	[spmem:s10] =	stream.linear.scatter [tilespmem:s14], [sflag:$0x3], $0x2D00, $0x38;
	[tilespmem:$0x1E140] =	vst v63  }
0x51: {  	_ = 	snop  }
0x52: {  	[spmem:s11] =	stream.linear.scatter [tilespmem:s14], [sflag:$0x3], $0x2D00, $0x38;
	[tilespmem:$0x1E140] =	vst v63  }
0x53: {  	s9 =	rddreg [dreg:$0x10]  }
0x54: {  	[spmem:s9] =	stream.linear.scatter [tilespmem:s14], [sflag:$0x3], $0x2D00, $0x38;
	[tilespmem:$0x1E140] =	vst v63  }
0x55: {  	_ = 	snop  }
0x56: {  	[spmem:s12] =	stream.linear.scatter [tilespmem:s14], [sflag:$0x3], $0x2D00, $0x38;
	[tilespmem:$0x1E140] =	vst v63  }
0x57: {  	_ =	swait.ge [sflag:s15], $0x2D00  }
0x58: {  	[sflag:s15] =	ssyncset.done $0x0  }
0x59: {  	[sflag:s15] =	ssyncadd.s32 $0xFFFFD300  }
0x5a: {  	_ =	swait.ge [sflag:s15], $0x2D00  }
0x5b: {  	[sflag:s15] =	ssyncset.done $0x0  }
0x5c: {  	[sflag:s15] =	ssyncadd.s32 $0xFFFFD300  }
0x5d: {  	_ =	swait.ge [sflag:s15], $0x2D00  }
0x5e: {  	[sflag:s15] =	ssyncset.done $0x0  }
0x5f: {  	[sflag:s15] =	ssyncadd.s32 $0xFFFFD300  }
0x60: {  	_ =	swait.ge [sflag:s15], $0x2D00  }
0x61: {  	[sflag:s15] =	ssyncset.done $0x0  }
0x62: {  	[sflag:s15] =	ssyncadd.s32 $0xFFFFD300  }
0x63: {  	_ =	swait.ge [sflag:s15], $0x2D00  }
0x64: {  	[sflag:s15] =	ssyncset.done $0x0  }
0x65: {  	[sflag:s15] =	ssyncadd.s32 $0xFFFFD300  }
0x66: {  	_ =	swait.ge [sflag:s15], $0x2D00  }
0x67: {  	[sflag:s15] =	ssyncset.done $0x0  }
0x68: {  	[sflag:s15] =	ssyncadd.s32 $0xFFFFD300  }
0x69: {  	_ =	swait.ge [sflag:s15], $0x2D00  }
0x6a: {  	[sflag:s15] =	ssyncset.done $0x0  }
0x6b: {  	[sflag:s15] =	ssyncadd.s32 $0xFFFFD300  }
0x6c: {  	_ =	swait.ge [sflag:s15], $0x2D00  }
0x6d: {  	[sflag:s15] =	ssyncset.done $0x0  }
0x6e: {  	[sflag:s15] =	ssyncadd.s32 $0xFFFFD300  }
0x6f: {  	[bflag:$0x0] =	sbarrier.arrive $0xFFFF  }
0x70: {  	_ =	swait.ge [sflag:s17], $0x7D0  }
0x71: {  	[sflag:s17] =	ssyncset.done $0x0  }
0x72: {  	[sflag:s17] =	ssyncadd.s32 $0xFFFFF830  }
0x73: {  	_ =	swait.ge [sflag:s17], $0x7D0  }
0x74: {  	[sflag:s17] =	ssyncset.done $0x0  }
0x75: {  	s10 =	rddreg [dreg:$0x19];
	[sflag:s17] =	ssyncadd.s32 $0xFFFFF830  }
0x76: {  	[tilespmem:s18], [sflag:$0x6] =	stream.linear.gather [hbm4b:s10+s3], $0x7D0, $0x38;
	[tilespmem:$0x1E140] =	vst v63  }
0x77: {  	s9 =	rddreg [dreg:$0x1a]  }
0x78: {  	[tilespmem:s19], [sflag:$0x6] =	stream.linear.gather [hbm4b:s9+s3], $0x7D0, $0x38;
	[tilespmem:$0x1E140] =	vst v63  }
0x79: {  	_ = 	snop  }
0x7a: {  	[tilespmem:s14], [sflag:$0x1] =	stream.indirect.gather [hbm4b:s4+s20], $0x90, s3, s20, $0xb8;
	[tilespmem:$0x1E140] =	vst v63  }
0x7b: {  	_ =	swait.ge [sflag:s21], $0x2D00  }
0x7c: {  	[sflag:s21] =	ssyncset.done $0x0  }
0x7d: {  	[sflag:s21] =	ssyncadd.s32 $0xFFFFD300  }
0x7e: {  	[spmem:s1] =	stream.indirect.scatter.add.f32 [tilespmem:s14], [sflag:$0x3], $0x90, s13, s20, $0xb8;
	[tilespmem:$0x1E140] =	vst v63  }
0x7f: {  	_ = 	snop  }
0x80: {  	[tilespmem:s22], [sflag:$0x2] =	stream.indirect.gather [hbm4b:s4+s20], $0x90, s20, s20, $0xb8;
	[tilespmem:$0x1E140] =	vst v63  }
0x81: {  	_ =	swait.ge [sflag:s23], $0x2D00  }
0x82: {  	[sflag:s23] =	ssyncset.done $0x0  }
0x83: {  	s10 =	simm.s32 $0xFF0;
	[sflag:s23] =	ssyncadd.s32 $0xFFFFD300  }
0x84: {  	[spmem:s1] =	stream.indirect.scatter.add.f32 [tilespmem:s22], [sflag:$0x4], $0x90, s10, s20, $0xb8;
	[tilespmem:$0x1E140] =	vst v63  }
0x85: {  	_ =	swait.ge [sflag:s15], $0x2D00  }
0x86: {  	[sflag:s15] =	ssyncset.done $0x0  }
0x87: {  	s9 =	simm.s32 $0xA0;
	[sflag:s15] =	ssyncadd.s32 $0xFFFFD300  }
0x88: {  	[tilespmem:s14], [sflag:$0x1] =	stream.indirect.gather [hbm4b:s4+s20], $0x90, s9, s20, $0xb8;
	[tilespmem:$0x1E140] =	vst v63  }
0x89: {  	_ =	swait.ge [sflag:s21], $0x2D00  }
0x8a: {  	[sflag:s21] =	ssyncset.done $0x0  }
0x8b: {  	s10 =	simm.s32 $0x1040;
	[sflag:s21] =	ssyncadd.s32 $0xFFFFD300  }
0x8c: {  	[spmem:s1] =	stream.indirect.scatter.add.f32 [tilespmem:s14], [sflag:$0x3], $0x90, s10, s20, $0xb8;
	[tilespmem:$0x1E140] =	vst v63  }
0x8d: {  	_ =	swait.ge [sflag:s24], $0x2D00  }
0x8e: {  	[sflag:s24] =	ssyncset.done $0x0  }
0x8f: {  	s8 =	simm.s32 $0xFFFFE700;
	s9 =	simm.s32 $0xF0;
	[sflag:s24] =	ssyncadd.s32 $0xFFFFD300  }
.LBB2_4:
0x90: {  	[tilespmem:s22], [sflag:$0x2] =	stream.indirect.gather [hbm4b:s4+s20], $0x90, s9, s20, $0xb8;
	[tilespmem:$0x1E140] =	vst v63  }
0x91: {  	s9 =	smov.u32 s8  }
0x92: {  	p0 =	sne.s32 s8, $0xFFFFFD80;
	s8 =	sadd.s32 $0x280, s8;
	_ =	swait.ge [sflag:s23], $0x2D00  }
0x93: {  	s9 =	sshra.s32 s9, $0x2;
	[sflag:s23] =	ssyncset.done $0x0  }
0x94: {  	s10 =	sadd.s32 $0x16D0, s9;
	[sflag:s23] =	ssyncadd.s32 $0xFFFFD300  }
0x95: {  	[spmem:s1] =	stream.indirect.scatter.add.f32 [tilespmem:s22], [sflag:$0x4], $0x90, s10, s20, $0xb8;
	[tilespmem:$0x1E140] =	vst v63  }
0x96: {  	_ =	swait.ge [sflag:s15], $0x2D00  }
0x97: {  	[sflag:s15] =	ssyncset.done $0x0  }
0x98: {  	s10 =	sadd.s32 $0x780, s9;
	[sflag:s15] =	ssyncadd.s32 $0xFFFFD300  }
0x99: {  	[tilespmem:s14], [sflag:$0x1] =	stream.indirect.gather [hbm4b:s4+s20], $0x90, s10, s20, $0xb8;
	[tilespmem:$0x1E140] =	vst v63  }
0x9a: {  	_ =	swait.ge [sflag:s21], $0x2D00  }
0x9b: {  	[sflag:s21] =	ssyncset.done $0x0  }
.Ltmp1:
0x9c: {  	s10 =	sadd.s32 $0x1720, s9;
	[sflag:s21] =	ssyncadd.s32 $0xFFFFD300;
	(pc) =	sbr.rel @p0 .LBB2_4-.Ltmp1, $4  }
0x9d: {  	[spmem:s1] =	stream.indirect.scatter.add.f32 [tilespmem:s14], [sflag:$0x3], $0x90, s10, s20, $0xb8;
	[tilespmem:$0x1E140] =	vst v63  }
0x9e: {  	_ =	swait.ge [sflag:s24], $0x2D00  }
0x9f: {  	[sflag:s24] =	ssyncset.done $0x0  }
0xa0: {  	s9 =	sadd.s32 $0x7D0, s9;
	[sflag:s24] =	ssyncadd.s32 $0xFFFFD300  }
0xa1: {  	[tilespmem:s22], [sflag:$0x2] =	stream.indirect.gather [hbm4b:s4+s20], $0x90, s9, s20, $0xb8;
	[tilespmem:$0x1E140] =	vst v63  }
0xa2: {  	_ =	swait.ge [sflag:s23], $0x2D00  }
0xa3: {  	[sflag:s23] =	ssyncset.done $0x0  }
0xa4: {  	[sflag:s23] =	ssyncadd.s32 $0xFFFFD300  }
0xa5: {  	[spmem:s1] =	stream.indirect.scatter.add.f32 [tilespmem:s22], [sflag:$0x4], $0x90, s25, s20, $0xb8;
	[tilespmem:$0x1E140] =	vst v63  }
0xa6: {  	_ =	swait.ge [sflag:s15], $0x2D00  }
0xa7: {  	[sflag:s15] =	ssyncset.done $0x0  }
0xa8: {  	[sflag:s15] =	ssyncadd.s32 $0xFFFFD300  }
0xa9: {  	[tilespmem:s14], [sflag:$0x1] =	stream.indirect.gather [hbm4b:s4+s20], $0x90, s26, s20, $0xb8;
	[tilespmem:$0x1E140] =	vst v63  }
0xaa: {  	_ =	swait.ge [sflag:s21], $0x2D00  }
0xab: {  	[sflag:s21] =	ssyncset.done $0x0  }
0xac: {  	[sflag:s21] =	ssyncadd.s32 $0xFFFFD300  }
0xad: {  	[spmem:s1] =	stream.indirect.scatter.add.f32 [tilespmem:s14], [sflag:$0x3], $0x90, s28, s20, $0xb8;
	[tilespmem:$0x1E140] =	vst v63  }
0xae: {  	_ =	swait.ge [sflag:s24], $0x2D00  }
0xaf: {  	[sflag:s24] =	ssyncset.done $0x0  }
0xb0: {  	[sflag:s24] =	ssyncadd.s32 $0xFFFFD300  }
0xb1: {  	_ =	swait.ge [sflag:s15], $0x2D00  }
0xb2: {  	[sflag:s15] =	ssyncset.done $0x0  }
0xb3: {  	[sflag:s15] =	ssyncadd.s32 $0xFFFFD300  }
0xb4: {  	_ =	swait.ge [sflag:s29], $0x7D0  }
0xb5: {  	[sflag:s29] =	ssyncset.done $0x0  }
0xb6: {  	[sflag:s29] =	ssyncadd.s32 $0xFFFFF830  }
0xb7: {  	_ =	swait.ge [sflag:s29], $0x7D0  }
0xb8: {  	[sflag:s29] =	ssyncset.done $0x0  }
0xb9: {  	s8 =	rddreg [dreg:$0x1b];
	[sflag:s29] =	ssyncadd.s32 $0xFFFFF830  }
0xba: {  	[tilespmem:s3], [sflag:$0x5] =	stream.linear.gather [hbm4b:s8+s3], $0x7D0, $0x38;
	[tilespmem:$0x1E140] =	vst v63  }
0xbb: {  	s9 =	rddreg [dreg:$0x1c]  }
0xbc: {  	[tilespmem:s13], [sflag:$0x5] =	stream.linear.gather [hbm4b:s9+s3], $0x7D0, $0x38;
	[tilespmem:$0x1E140] =	vst v63  }
0xbd: {  	_ = 	snop  }
0xbe: {  	[tilespmem:s14], [sflag:$0x1] =	stream.indirect.gather [hbm4b:s4+s20], $0x90, s18, s20, $0xb8;
	[tilespmem:$0x1E140] =	vst v63  }
0xbf: {  	_ =	swait.ge [sflag:s21], $0x2D00  }
0xc0: {  	[sflag:s21] =	ssyncset.done $0x0  }
0xc1: {  	[sflag:s21] =	ssyncadd.s32 $0xFFFFD300  }
0xc2: {  	[spmem:s1] =	stream.indirect.scatter.add.f32 [tilespmem:s14], [sflag:$0x3], $0x90, s19, s20, $0xb8;
	[tilespmem:$0x1E140] =	vst v63  }
0xc3: {  	_ = 	snop  }
0xc4: {  	[tilespmem:s22], [sflag:$0x2] =	stream.indirect.gather [hbm4b:s4+s20], $0x90, s30, s20, $0xb8;
	[tilespmem:$0x1E140] =	vst v63  }
0xc5: {  	_ =	swait.ge [sflag:s23], $0x2D00  }
0xc6: {  	[sflag:s23] =	ssyncset.done $0x0  }
0xc7: {  	s10 =	simm.s32 $0x17C0;
	[sflag:s23] =	ssyncadd.s32 $0xFFFFD300  }
0xc8: {  	[spmem:s1] =	stream.indirect.scatter.add.f32 [tilespmem:s22], [sflag:$0x4], $0x90, s10, s20, $0xb8;
	[tilespmem:$0x1E140] =	vst v63  }
0xc9: {  	_ =	swait.ge [sflag:s15], $0x2D00  }
0xca: {  	[sflag:s15] =	ssyncset.done $0x0  }
0xcb: {  	s9 =	simm.s32 $0x870;
	[sflag:s15] =	ssyncadd.s32 $0xFFFFD300  }
0xcc: {  	[tilespmem:s14], [sflag:$0x1] =	stream.indirect.gather [hbm4b:s4+s20], $0x90, s9, s20, $0xb8;
	[tilespmem:$0x1E140] =	vst v63  }
0xcd: {  	_ =	swait.ge [sflag:s21], $0x2D00  }
0xce: {  	[sflag:s21] =	ssyncset.done $0x0  }
0xcf: {  	s10 =	simm.s32 $0x1810;
	[sflag:s21] =	ssyncadd.s32 $0xFFFFD300  }
0xd0: {  	[spmem:s1] =	stream.indirect.scatter.add.f32 [tilespmem:s14], [sflag:$0x3], $0x90, s10, s20, $0xb8;
	[tilespmem:$0x1E140] =	vst v63  }
0xd1: {  	_ =	swait.ge [sflag:s24], $0x2D00  }
0xd2: {  	[sflag:s24] =	ssyncset.done $0x0  }
0xd3: {  	s8 =	simm.s32 $0xFFFFE700;
	s9 =	simm.s32 $0x8C0;
	[sflag:s24] =	ssyncadd.s32 $0xFFFFD300  }
.LBB2_6:
0xd4: {  	[tilespmem:s22], [sflag:$0x2] =	stream.indirect.gather [hbm4b:s4+s20], $0x90, s9, s20, $0xb8;
	[tilespmem:$0x1E140] =	vst v63  }
0xd5: {  	s9 =	smov.u32 s8  }
0xd6: {  	p0 =	sne.s32 s8, $0xFFFFFD80;
	s8 =	sadd.s32 $0x280, s8;
	_ =	swait.ge [sflag:s23], $0x2D00  }
0xd7: {  	s9 =	sshra.s32 s9, $0x2;
	[sflag:s23] =	ssyncset.done $0x0  }
0xd8: {  	s10 =	sadd.s32 $0x1EA0, s9;
	[sflag:s23] =	ssyncadd.s32 $0xFFFFD300  }
0xd9: {  	[spmem:s1] =	stream.indirect.scatter.add.f32 [tilespmem:s22], [sflag:$0x4], $0x90, s10, s20, $0xb8;
	[tilespmem:$0x1E140] =	vst v63  }
0xda: {  	_ =	swait.ge [sflag:s15], $0x2D00  }
0xdb: {  	[sflag:s15] =	ssyncset.done $0x0  }
0xdc: {  	s10 =	sadd.s32 $0xF50, s9;
	[sflag:s15] =	ssyncadd.s32 $0xFFFFD300  }
0xdd: {  	[tilespmem:s14], [sflag:$0x1] =	stream.indirect.gather [hbm4b:s4+s20], $0x90, s10, s20, $0xb8;
	[tilespmem:$0x1E140] =	vst v63  }
0xde: {  	_ =	swait.ge [sflag:s21], $0x2D00  }
0xdf: {  	[sflag:s21] =	ssyncset.done $0x0  }
.Ltmp2:
0xe0: {  	s10 =	sadd.s32 $0x1EF0, s9;
	[sflag:s21] =	ssyncadd.s32 $0xFFFFD300;
	(pc) =	sbr.rel @p0 .LBB2_6-.Ltmp2, $4  }
0xe1: {  	[spmem:s1] =	stream.indirect.scatter.add.f32 [tilespmem:s14], [sflag:$0x3], $0x90, s10, s20, $0xb8;
	[tilespmem:$0x1E140] =	vst v63  }
0xe2: {  	_ =	swait.ge [sflag:s24], $0x2D00  }
0xe3: {  	[sflag:s24] =	ssyncset.done $0x0  }
0xe4: {  	s9 =	sadd.s32 $0xFA0, s9;
	[sflag:s24] =	ssyncadd.s32 $0xFFFFD300  }
0xe5: {  	[tilespmem:s22], [sflag:$0x2] =	stream.indirect.gather [hbm4b:s4+s20], $0x90, s9, s20, $0xb8;
	[tilespmem:$0x1E140] =	vst v63  }
0xe6: {  	_ =	swait.ge [sflag:s23], $0x2D00  }
0xe7: {  	[sflag:s23] =	ssyncset.done $0x0  }
0xe8: {  	[sflag:s23] =	ssyncadd.s32 $0xFFFFD300  }
0xe9: {  	[spmem:s1] =	stream.indirect.scatter.add.f32 [tilespmem:s22], [sflag:$0x4], $0x90, s31, s20, $0xb8;
	[tilespmem:$0x1E140] =	vst v63  }
0xea: {  	_ =	swait.ge [sflag:s15], $0x2D00  }
0xeb: {  	[sflag:s15] =	ssyncset.done $0x0  }
0xec: {  	[sflag:s15] =	ssyncadd.s32 $0xFFFFD300  }
0xed: {  	[tilespmem:s14], [sflag:$0x1] =	stream.indirect.gather [hbm4b:s4+s20], $0x90, s0, s20, $0xb8;
	[tilespmem:$0x1E140] =	vst v63  }
0xee: {  	_ =	swait.ge [sflag:s21], $0x2D00  }
0xef: {  	[sflag:s21] =	ssyncset.done $0x0  }
0xf0: {  	[sflag:s21] =	ssyncadd.s32 $0xFFFFD300  }
0xf1: {  	[spmem:s1] =	stream.indirect.scatter.add.f32 [tilespmem:s14], [sflag:$0x3], $0x90, s2, s20, $0xb8;
	[tilespmem:$0x1E140] =	vst v63  }
0xf2: {  	_ =	swait.ge [sflag:s24], $0x2D00  }
0xf3: {  	[sflag:s24] =	ssyncset.done $0x0  }
0xf4: {  	[sflag:s24] =	ssyncadd.s32 $0xFFFFD300  }
0xf5: {  	_ =	swait.ge [sflag:s15], $0x2D00  }
0xf6: {  	[sflag:s15] =	ssyncset.done $0x0  }
0xf7: {  	[sflag:s15] =	ssyncadd.s32 $0xFFFFD300  }
0xf8: {  	_ =	swait.ge [sflag:s17], $0x7D0  }
0xf9: {  	[sflag:s17] =	ssyncset.done $0x0  }
0xfa: {  	[sflag:s17] =	ssyncadd.s32 $0xFFFFF830  }
0xfb: {  	_ =	swait.ge [sflag:s17], $0x7D0  }
0xfc: {  	[sflag:s17] =	ssyncset.done $0x0  }
0xfd: {  	s8 =	rddreg [dreg:$0x1d];
	[sflag:s17] =	ssyncadd.s32 $0xFFFFF830  }
0xfe: {  	[tilespmem:s18], [sflag:$0x6] =	stream.linear.gather [hbm4b:s8+s3], $0x7D0, $0x38;
	[tilespmem:$0x1E140] =	vst v63  }
0xff: {  	s9 =	rddreg [dreg:$0x1e]  }
0x100: {  	[tilespmem:s19], [sflag:$0x6] =	stream.linear.gather [hbm4b:s9+s3], $0x7D0, $0x38;
	[tilespmem:$0x1E140] =	vst v63  }
0x101: {  	_ = 	snop  }
0x102: {  	[tilespmem:s14], [sflag:$0x1] =	stream.indirect.gather [hbm4b:s4+s20], $0x90, s3, s20, $0xb8;
	[tilespmem:$0x1E140] =	vst v63  }
0x103: {  	_ =	swait.ge [sflag:s21], $0x2D00  }
0x104: {  	[sflag:s21] =	ssyncset.done $0x0  }
0x105: {  	[sflag:s21] =	ssyncadd.s32 $0xFFFFD300  }
0x106: {  	[spmem:s1] =	stream.indirect.scatter.add.f32 [tilespmem:s14], [sflag:$0x3], $0x90, s13, s20, $0xb8;
	[tilespmem:$0x1E140] =	vst v63  }
0x107: {  	_ = 	snop  }
0x108: {  	[tilespmem:s22], [sflag:$0x2] =	stream.indirect.gather [hbm4b:s4+s20], $0x90, s20, s20, $0xb8;
	[tilespmem:$0x1E140] =	vst v63  }
0x109: {  	_ =	swait.ge [sflag:s23], $0x2D00  }
0x10a: {  	[sflag:s23] =	ssyncset.done $0x0  }
0x10b: {  	s10 =	simm.s32 $0xFF0;
	[sflag:s23] =	ssyncadd.s32 $0xFFFFD300  }
0x10c: {  	[spmem:s1] =	stream.indirect.scatter.add.f32 [tilespmem:s22], [sflag:$0x4], $0x90, s10, s20, $0xb8;
	[tilespmem:$0x1E140] =	vst v63  }
0x10d: {  	_ =	swait.ge [sflag:s15], $0x2D00  }
0x10e: {  	[sflag:s15] =	ssyncset.done $0x0  }
0x10f: {  	s9 =	simm.s32 $0xA0;
	[sflag:s15] =	ssyncadd.s32 $0xFFFFD300  }
0x110: {  	[tilespmem:s14], [sflag:$0x1] =	stream.indirect.gather [hbm4b:s4+s20], $0x90, s9, s20, $0xb8;
	[tilespmem:$0x1E140] =	vst v63  }
0x111: {  	_ =	swait.ge [sflag:s21], $0x2D00  }
0x112: {  	[sflag:s21] =	ssyncset.done $0x0  }
0x113: {  	s10 =	simm.s32 $0x1040;
	[sflag:s21] =	ssyncadd.s32 $0xFFFFD300  }
0x114: {  	[spmem:s1] =	stream.indirect.scatter.add.f32 [tilespmem:s14], [sflag:$0x3], $0x90, s10, s20, $0xb8;
	[tilespmem:$0x1E140] =	vst v63  }
0x115: {  	_ =	swait.ge [sflag:s24], $0x2D00  }
0x116: {  	[sflag:s24] =	ssyncset.done $0x0  }
0x117: {  	s8 =	simm.s32 $0xFFFFE700;
	s9 =	simm.s32 $0xF0;
	[sflag:s24] =	ssyncadd.s32 $0xFFFFD300  }
.LBB2_8:
0x118: {  	[tilespmem:s22], [sflag:$0x2] =	stream.indirect.gather [hbm4b:s4+s20], $0x90, s9, s20, $0xb8;
	[tilespmem:$0x1E140] =	vst v63  }
0x119: {  	s9 =	smov.u32 s8  }
0x11a: {  	p0 =	sne.s32 s8, $0xFFFFFD80;
	s8 =	sadd.s32 $0x280, s8;
	_ =	swait.ge [sflag:s23], $0x2D00  }
0x11b: {  	s9 =	sshra.s32 s9, $0x2;
	[sflag:s23] =	ssyncset.done $0x0  }
0x11c: {  	s10 =	sadd.s32 $0x16D0, s9;
	[sflag:s23] =	ssyncadd.s32 $0xFFFFD300  }
0x11d: {  	[spmem:s1] =	stream.indirect.scatter.add.f32 [tilespmem:s22], [sflag:$0x4], $0x90, s10, s20, $0xb8;
	[tilespmem:$0x1E140] =	vst v63  }
0x11e: {  	_ =	swait.ge [sflag:s15], $0x2D00  }
0x11f: {  	[sflag:s15] =	ssyncset.done $0x0  }
0x120: {  	s10 =	sadd.s32 $0x780, s9;
	[sflag:s15] =	ssyncadd.s32 $0xFFFFD300  }
0x121: {  	[tilespmem:s14], [sflag:$0x1] =	stream.indirect.gather [hbm4b:s4+s20], $0x90, s10, s20, $0xb8;
	[tilespmem:$0x1E140] =	vst v63  }
0x122: {  	_ =	swait.ge [sflag:s21], $0x2D00  }
0x123: {  	[sflag:s21] =	ssyncset.done $0x0  }
.Ltmp3:
0x124: {  	s10 =	sadd.s32 $0x1720, s9;
	[sflag:s21] =	ssyncadd.s32 $0xFFFFD300;
	(pc) =	sbr.rel @p0 .LBB2_8-.Ltmp3, $4  }
0x125: {  	[spmem:s1] =	stream.indirect.scatter.add.f32 [tilespmem:s14], [sflag:$0x3], $0x90, s10, s20, $0xb8;
	[tilespmem:$0x1E140] =	vst v63  }
0x126: {  	_ =	swait.ge [sflag:s24], $0x2D00  }
0x127: {  	[sflag:s24] =	ssyncset.done $0x0  }
0x128: {  	s9 =	sadd.s32 $0x7D0, s9;
	[sflag:s24] =	ssyncadd.s32 $0xFFFFD300  }
0x129: {  	[tilespmem:s22], [sflag:$0x2] =	stream.indirect.gather [hbm4b:s4+s20], $0x90, s9, s20, $0xb8;
	[tilespmem:$0x1E140] =	vst v63  }
0x12a: {  	_ =	swait.ge [sflag:s23], $0x2D00  }
0x12b: {  	[sflag:s23] =	ssyncset.done $0x0  }
0x12c: {  	[sflag:s23] =	ssyncadd.s32 $0xFFFFD300  }
0x12d: {  	[spmem:s1] =	stream.indirect.scatter.add.f32 [tilespmem:s22], [sflag:$0x4], $0x90, s25, s20, $0xb8;
	[tilespmem:$0x1E140] =	vst v63  }
0x12e: {  	_ =	swait.ge [sflag:s15], $0x2D00  }
0x12f: {  	[sflag:s15] =	ssyncset.done $0x0  }
0x130: {  	[sflag:s15] =	ssyncadd.s32 $0xFFFFD300  }
0x131: {  	[tilespmem:s14], [sflag:$0x1] =	stream.indirect.gather [hbm4b:s4+s20], $0x90, s26, s20, $0xb8;
	[tilespmem:$0x1E140] =	vst v63  }
0x132: {  	_ =	swait.ge [sflag:s21], $0x2D00  }
0x133: {  	[sflag:s21] =	ssyncset.done $0x0  }
0x134: {  	[sflag:s21] =	ssyncadd.s32 $0xFFFFD300  }
0x135: {  	[spmem:s1] =	stream.indirect.scatter.add.f32 [tilespmem:s14], [sflag:$0x3], $0x90, s28, s20, $0xb8;
	[tilespmem:$0x1E140] =	vst v63  }
0x136: {  	_ =	swait.ge [sflag:s24], $0x2D00  }
0x137: {  	[sflag:s24] =	ssyncset.done $0x0  }
0x138: {  	[sflag:s24] =	ssyncadd.s32 $0xFFFFD300  }
0x139: {  	_ =	swait.ge [sflag:s15], $0x2D00  }
0x13a: {  	[sflag:s15] =	ssyncset.done $0x0  }
0x13b: {  	[sflag:s15] =	ssyncadd.s32 $0xFFFFD300  }
0x13c: {  	_ =	swait.ge [sflag:s29], $0x7D0  }
0x13d: {  	[sflag:s29] =	ssyncset.done $0x0  }
0x13e: {  	[sflag:s29] =	ssyncadd.s32 $0xFFFFF830  }
0x13f: {  	_ =	swait.ge [sflag:s29], $0x7D0  }
0x140: {  	[sflag:s29] =	ssyncset.done $0x0;
	s8 =	rddreg [dreg:$0x1f]  }
0x141: {  	s9 =	sld [smem:$0x7FB];
	[sflag:s29] =	ssyncadd.s32 $0xFFFFF830  }
0x142: {  	[tilespmem:s3], [sflag:$0x5] =	stream.linear.gather [hbm4b:s8+s3], $0x7D0, $0x38;
	[tilespmem:$0x1E140] =	vst v63  }
0x143: {  	_ = 	snop  }
0x144: {  	[tilespmem:s13], [sflag:$0x5] =	stream.linear.gather [hbm4b:s9+s3], $0x7D0, $0x38;
	[tilespmem:$0x1E140] =	vst v63  }
0x145: {  	_ = 	snop  }
0x146: {  	[tilespmem:s14], [sflag:$0x1] =	stream.indirect.gather [hbm4b:s4+s20], $0x90, s18, s20, $0xb8;
	[tilespmem:$0x1E140] =	vst v63  }
0x147: {  	_ =	swait.ge [sflag:s21], $0x2D00  }
0x148: {  	[sflag:s21] =	ssyncset.done $0x0  }
0x149: {  	[sflag:s21] =	ssyncadd.s32 $0xFFFFD300  }
0x14a: {  	[spmem:s1] =	stream.indirect.scatter.add.f32 [tilespmem:s14], [sflag:$0x3], $0x90, s19, s20, $0xb8;
	[tilespmem:$0x1E140] =	vst v63  }
0x14b: {  	_ = 	snop  }
0x14c: {  	[tilespmem:s22], [sflag:$0x2] =	stream.indirect.gather [hbm4b:s4+s20], $0x90, s30, s20, $0xb8;
	[tilespmem:$0x1E140] =	vst v63  }
0x14d: {  	_ =	swait.ge [sflag:s23], $0x2D00  }
0x14e: {  	[sflag:s23] =	ssyncset.done $0x0  }
0x14f: {  	s10 =	simm.s32 $0x17C0;
	[sflag:s23] =	ssyncadd.s32 $0xFFFFD300  }
0x150: {  	[spmem:s1] =	stream.indirect.scatter.add.f32 [tilespmem:s22], [sflag:$0x4], $0x90, s10, s20, $0xb8;
	[tilespmem:$0x1E140] =	vst v63  }
0x151: {  	_ =	swait.ge [sflag:s15], $0x2D00  }
0x152: {  	[sflag:s15] =	ssyncset.done $0x0  }
0x153: {  	s9 =	simm.s32 $0x870;
	[sflag:s15] =	ssyncadd.s32 $0xFFFFD300  }
0x154: {  	[tilespmem:s14], [sflag:$0x1] =	stream.indirect.gather [hbm4b:s4+s20], $0x90, s9, s20, $0xb8;
	[tilespmem:$0x1E140] =	vst v63  }
0x155: {  	_ =	swait.ge [sflag:s21], $0x2D00  }
0x156: {  	[sflag:s21] =	ssyncset.done $0x0  }
0x157: {  	s10 =	simm.s32 $0x1810;
	[sflag:s21] =	ssyncadd.s32 $0xFFFFD300  }
0x158: {  	[spmem:s1] =	stream.indirect.scatter.add.f32 [tilespmem:s14], [sflag:$0x3], $0x90, s10, s20, $0xb8;
	[tilespmem:$0x1E140] =	vst v63  }
0x159: {  	_ =	swait.ge [sflag:s24], $0x2D00  }
0x15a: {  	[sflag:s24] =	ssyncset.done $0x0  }
0x15b: {  	s8 =	simm.s32 $0xFFFFE700;
	s9 =	simm.s32 $0x8C0;
	[sflag:s24] =	ssyncadd.s32 $0xFFFFD300  }
.LBB2_10:
0x15c: {  	[tilespmem:s22], [sflag:$0x2] =	stream.indirect.gather [hbm4b:s4+s20], $0x90, s9, s20, $0xb8;
	[tilespmem:$0x1E140] =	vst v63  }
0x15d: {  	s9 =	smov.u32 s8  }
0x15e: {  	p0 =	sne.s32 s8, $0xFFFFFD80;
	s8 =	sadd.s32 $0x280, s8;
	_ =	swait.ge [sflag:s23], $0x2D00  }
0x15f: {  	s9 =	sshra.s32 s9, $0x2;
	[sflag:s23] =	ssyncset.done $0x0  }
0x160: {  	s10 =	sadd.s32 $0x1EA0, s9;
	[sflag:s23] =	ssyncadd.s32 $0xFFFFD300  }
0x161: {  	[spmem:s1] =	stream.indirect.scatter.add.f32 [tilespmem:s22], [sflag:$0x4], $0x90, s10, s20, $0xb8;
	[tilespmem:$0x1E140] =	vst v63  }
0x162: {  	_ =	swait.ge [sflag:s15], $0x2D00  }
0x163: {  	[sflag:s15] =	ssyncset.done $0x0  }
0x164: {  	s10 =	sadd.s32 $0xF50, s9;
	[sflag:s15] =	ssyncadd.s32 $0xFFFFD300  }
0x165: {  	[tilespmem:s14], [sflag:$0x1] =	stream.indirect.gather [hbm4b:s4+s20], $0x90, s10, s20, $0xb8;
	[tilespmem:$0x1E140] =	vst v63  }
0x166: {  	_ =	swait.ge [sflag:s21], $0x2D00  }
0x167: {  	[sflag:s21] =	ssyncset.done $0x0  }
.Ltmp4:
0x168: {  	s10 =	sadd.s32 $0x1EF0, s9;
	[sflag:s21] =	ssyncadd.s32 $0xFFFFD300;
	(pc) =	sbr.rel @p0 .LBB2_10-.Ltmp4, $4  }
0x169: {  	[spmem:s1] =	stream.indirect.scatter.add.f32 [tilespmem:s14], [sflag:$0x3], $0x90, s10, s20, $0xb8;
	[tilespmem:$0x1E140] =	vst v63  }
0x16a: {  	_ =	swait.ge [sflag:s24], $0x2D00  }
0x16b: {  	[sflag:s24] =	ssyncset.done $0x0  }
0x16c: {  	s9 =	sadd.s32 $0xFA0, s9;
	[sflag:s24] =	ssyncadd.s32 $0xFFFFD300  }
0x16d: {  	[tilespmem:s22], [sflag:$0x2] =	stream.indirect.gather [hbm4b:s4+s20], $0x90, s9, s20, $0xb8;
	[tilespmem:$0x1E140] =	vst v63  }
0x16e: {  	_ =	swait.ge [sflag:s23], $0x2D00  }
0x16f: {  	[sflag:s23] =	ssyncset.done $0x0  }
0x170: {  	[sflag:s23] =	ssyncadd.s32 $0xFFFFD300  }
0x171: {  	[spmem:s1] =	stream.indirect.scatter.add.f32 [tilespmem:s22], [sflag:$0x4], $0x90, s31, s20, $0xb8;
	[tilespmem:$0x1E140] =	vst v63  }
0x172: {  	_ =	swait.ge [sflag:s15], $0x2D00  }
0x173: {  	[sflag:s15] =	ssyncset.done $0x0  }
0x174: {  	[sflag:s15] =	ssyncadd.s32 $0xFFFFD300  }
0x175: {  	[tilespmem:s14], [sflag:$0x1] =	stream.indirect.gather [hbm4b:s4+s20], $0x90, s0, s20, $0xb8;
	[tilespmem:$0x1E140] =	vst v63  }
0x176: {  	_ =	swait.ge [sflag:s21], $0x2D00  }
0x177: {  	[sflag:s21] =	ssyncset.done $0x0  }
0x178: {  	[sflag:s21] =	ssyncadd.s32 $0xFFFFD300  }
0x179: {  	[spmem:s1] =	stream.indirect.scatter.add.f32 [tilespmem:s14], [sflag:$0x3], $0x90, s2, s20, $0xb8;
	[tilespmem:$0x1E140] =	vst v63  }
0x17a: {  	_ =	swait.ge [sflag:s24], $0x2D00  }
0x17b: {  	[sflag:s24] =	ssyncset.done $0x0  }
0x17c: {  	[sflag:s24] =	ssyncadd.s32 $0xFFFFD300  }
0x17d: {  	_ =	swait.ge [sflag:s15], $0x2D00  }
0x17e: {  	[sflag:s15] =	ssyncset.done $0x0  }
0x17f: {  	[sflag:s15] =	ssyncadd.s32 $0xFFFFD300  }
0x180: {  	_ =	swait.ge [sflag:s17], $0x7D0  }
0x181: {  	[sflag:s17] =	ssyncset.done $0x0  }
0x182: {  	[sflag:s17] =	ssyncadd.s32 $0xFFFFF830  }
0x183: {  	_ =	swait.ge [sflag:s17], $0x7D0  }
0x184: {  	[sflag:s17] =	ssyncset.done $0x0  }
0x185: {  	[sflag:s17] =	ssyncadd.s32 $0xFFFFF830  }
0x186: {  	[tilespmem:s14], [sflag:$0x1] =	stream.indirect.gather [hbm4b:s4+s20], $0x90, s3, s20, $0xb8;
	[tilespmem:$0x1E140] =	vst v63  }
0x187: {  	_ =	swait.ge [sflag:s21], $0x2D00  }
0x188: {  	[sflag:s21] =	ssyncset.done $0x0  }
0x189: {  	[sflag:s21] =	ssyncadd.s32 $0xFFFFD300  }
0x18a: {  	[spmem:s1] =	stream.indirect.scatter.add.f32 [tilespmem:s14], [sflag:$0x3], $0x90, s13, s20, $0xb8;
	[tilespmem:$0x1E140] =	vst v63  }
0x18b: {  	_ = 	snop  }
0x18c: {  	[tilespmem:s22], [sflag:$0x2] =	stream.indirect.gather [hbm4b:s4+s20], $0x90, s20, s20, $0xb8;
	[tilespmem:$0x1E140] =	vst v63  }
0x18d: {  	_ =	swait.ge [sflag:s23], $0x2D00  }
0x18e: {  	[sflag:s23] =	ssyncset.done $0x0  }
0x18f: {  	s8 =	simm.s32 $0xFF0;
	[sflag:s23] =	ssyncadd.s32 $0xFFFFD300  }
0x190: {  	[spmem:s1] =	stream.indirect.scatter.add.f32 [tilespmem:s22], [sflag:$0x4], $0x90, s8, s20, $0xb8;
	[tilespmem:$0x1E140] =	vst v63  }
0x191: {  	_ =	swait.ge [sflag:s15], $0x2D00  }
0x192: {  	[sflag:s15] =	ssyncset.done $0x0  }
0x193: {  	s9 =	simm.s32 $0xA0;
	[sflag:s15] =	ssyncadd.s32 $0xFFFFD300  }
0x194: {  	[tilespmem:s14], [sflag:$0x1] =	stream.indirect.gather [hbm4b:s4+s20], $0x90, s9, s20, $0xb8;
	[tilespmem:$0x1E140] =	vst v63  }
0x195: {  	_ =	swait.ge [sflag:s21], $0x2D00  }
0x196: {  	[sflag:s21] =	ssyncset.done $0x0  }
0x197: {  	s10 =	simm.s32 $0x1040;
	[sflag:s21] =	ssyncadd.s32 $0xFFFFD300  }
0x198: {  	[spmem:s1] =	stream.indirect.scatter.add.f32 [tilespmem:s14], [sflag:$0x3], $0x90, s10, s20, $0xb8;
	[tilespmem:$0x1E140] =	vst v63  }
0x199: {  	_ =	swait.ge [sflag:s24], $0x2D00  }
0x19a: {  	[sflag:s24] =	ssyncset.done $0x0  }
0x19b: {  	s8 =	simm.s32 $0xFFFFE700;
	s9 =	simm.s32 $0xF0;
	[sflag:s24] =	ssyncadd.s32 $0xFFFFD300  }
.LBB2_12:
0x19c: {  	[tilespmem:s22], [sflag:$0x2] =	stream.indirect.gather [hbm4b:s4+s20], $0x90, s9, s20, $0xb8;
	[tilespmem:$0x1E140] =	vst v63  }
0x19d: {  	s9 =	smov.u32 s8  }
0x19e: {  	p0 =	sne.s32 s8, $0xFFFFFD80;
	s8 =	sadd.s32 $0x280, s8;
	_ =	swait.ge [sflag:s23], $0x2D00  }
0x19f: {  	s9 =	sshra.s32 s9, $0x2;
	[sflag:s23] =	ssyncset.done $0x0  }
0x1a0: {  	s10 =	sadd.s32 $0x16D0, s9;
	[sflag:s23] =	ssyncadd.s32 $0xFFFFD300  }
0x1a1: {  	[spmem:s1] =	stream.indirect.scatter.add.f32 [tilespmem:s22], [sflag:$0x4], $0x90, s10, s20, $0xb8;
	[tilespmem:$0x1E140] =	vst v63  }
0x1a2: {  	_ =	swait.ge [sflag:s15], $0x2D00  }
0x1a3: {  	[sflag:s15] =	ssyncset.done $0x0  }
0x1a4: {  	s10 =	sadd.s32 $0x780, s9;
	[sflag:s15] =	ssyncadd.s32 $0xFFFFD300  }
0x1a5: {  	[tilespmem:s14], [sflag:$0x1] =	stream.indirect.gather [hbm4b:s4+s20], $0x90, s10, s20, $0xb8;
	[tilespmem:$0x1E140] =	vst v63  }
0x1a6: {  	_ =	swait.ge [sflag:s21], $0x2D00  }
0x1a7: {  	[sflag:s21] =	ssyncset.done $0x0  }
.Ltmp5:
0x1a8: {  	s10 =	sadd.s32 $0x1720, s9;
	[sflag:s21] =	ssyncadd.s32 $0xFFFFD300;
	(pc) =	sbr.rel @p0 .LBB2_12-.Ltmp5, $4  }
0x1a9: {  	[spmem:s1] =	stream.indirect.scatter.add.f32 [tilespmem:s14], [sflag:$0x3], $0x90, s10, s20, $0xb8;
	[tilespmem:$0x1E140] =	vst v63  }
0x1aa: {  	_ =	swait.ge [sflag:s24], $0x2D00  }
0x1ab: {  	[sflag:s24] =	ssyncset.done $0x0  }
0x1ac: {  	s9 =	sadd.s32 $0x7D0, s9;
	[sflag:s24] =	ssyncadd.s32 $0xFFFFD300  }
0x1ad: {  	[tilespmem:s22], [sflag:$0x2] =	stream.indirect.gather [hbm4b:s4+s20], $0x90, s9, s20, $0xb8;
	[tilespmem:$0x1E140] =	vst v63  }
0x1ae: {  	_ =	swait.ge [sflag:s23], $0x2D00  }
0x1af: {  	[sflag:s23] =	ssyncset.done $0x0  }
0x1b0: {  	[sflag:s23] =	ssyncadd.s32 $0xFFFFD300  }
0x1b1: {  	[spmem:s1] =	stream.indirect.scatter.add.f32 [tilespmem:s22], [sflag:$0x4], $0x90, s25, s20, $0xb8;
	[tilespmem:$0x1E140] =	vst v63  }
0x1b2: {  	_ =	swait.ge [sflag:s15], $0x2D00  }
0x1b3: {  	[sflag:s15] =	ssyncset.done $0x0  }
0x1b4: {  	[sflag:s15] =	ssyncadd.s32 $0xFFFFD300  }
0x1b5: {  	[tilespmem:s14], [sflag:$0x1] =	stream.indirect.gather [hbm4b:s4+s20], $0x90, s26, s20, $0xb8;
	[tilespmem:$0x1E140] =	vst v63  }
0x1b6: {  	_ =	swait.ge [sflag:s21], $0x2D00  }
0x1b7: {  	[sflag:s21] =	ssyncset.done $0x0  }
0x1b8: {  	[sflag:s21] =	ssyncadd.s32 $0xFFFFD300  }
0x1b9: {  	[spmem:s1] =	stream.indirect.scatter.add.f32 [tilespmem:s14], [sflag:$0x3], $0x90, s28, s20, $0xb8;
	[tilespmem:$0x1E140] =	vst v63  }
0x1ba: {  	_ =	swait.ge [sflag:s24], $0x2D00  }
0x1bb: {  	[sflag:s24] =	ssyncset.done $0x0  }
0x1bc: {  	[sflag:s24] =	ssyncadd.s32 $0xFFFFD300  }
0x1bd: {  	_ =	swait.ge [sflag:s15], $0x2D00  }
0x1be: {  	[sflag:s15] =	ssyncset.done $0x0  }
0x1bf: {  	[sflag:s15] =	ssyncadd.s32 $0xFFFFD300  }
0x1c0: {  	[bflag:$0x0] =	sbarrier.arrive $0xFFFF  }
0x1c1: {  	s8 =	rddreg [dreg:$0x4]  }
0x1c2: {  	[tilespmem:s14], [sflag:$0x7] =	stream.linear.gather [spmem:s8], $0x2D00, $0x38;
	[tilespmem:$0x1E140] =	vst v63  }
0x1c3: {  	_ =	swait.ge [sflag:s6], $0x2D00  }
0x1c4: {  	[sflag:s6] =	ssyncset.done $0x0  }
0x1c5: {  	s9 =	rddreg [dreg:$0x5];
	[sflag:s6] =	ssyncadd.s32 $0xFFFFD300  }
0x1c6: {  	[hbm4b:s9+s3] =	stream.linear.scatter [tilespmem:s14], [sflag:$0x1], $0x2D00, $0x38;
	[tilespmem:$0x1E140] =	vst v63  }
0x1c7: {  	s10 =	rddreg [dreg:$0x11]  }
0x1c8: {  	[tilespmem:s22], [sflag:$0x7] =	stream.linear.gather [spmem:s10], $0x2D00, $0x38;
	[tilespmem:$0x1E140] =	vst v63  }
0x1c9: {  	_ =	swait.ge [sflag:s6], $0x2D00  }
0x1ca: {  	[sflag:s6] =	ssyncset.done $0x0  }
0x1cb: {  	s9 =	rddreg [dreg:$0x6];
	[sflag:s6] =	ssyncadd.s32 $0xFFFFD300  }
0x1cc: {  	[hbm4b:s9+s3] =	stream.linear.scatter [tilespmem:s22], [sflag:$0x2], $0x2D00, $0x38;
	[tilespmem:$0x1E140] =	vst v63  }
0x1cd: {  	_ =	swait.ge [sflag:s21], $0x2D00  }
0x1ce: {  	[sflag:s21] =	ssyncset.done $0x0  }
0x1cf: {  	[sflag:s21] =	ssyncadd.s32 $0xFFFFD300  }
0x1d0: {  	_ =	swait.ge [sflag:s23], $0x2D00  }
0x1d1: {  	[sflag:s23] =	ssyncset.done $0x0  }
0x1d2: {  	s10 =	rddreg [dreg:$0x12];
	[sflag:s23] =	ssyncadd.s32 $0xFFFFD300  }
0x1d3: {  	[tilespmem:s14], [sflag:$0x7] =	stream.linear.gather [spmem:s10], $0x2D00, $0x38;
	[tilespmem:$0x1E140] =	vst v63  }
0x1d4: {  	_ =	swait.ge [sflag:s6], $0x2D00  }
0x1d5: {  	[sflag:s6] =	ssyncset.done $0x0  }
0x1d6: {  	s9 =	rddreg [dreg:$0x7];
	[sflag:s6] =	ssyncadd.s32 $0xFFFFD300  }
0x1d7: {  	[hbm4b:s9+s3] =	stream.linear.scatter [tilespmem:s14], [sflag:$0x1], $0x2D00, $0x38;
	[tilespmem:$0x1E140] =	vst v63  }
0x1d8: {  	s10 =	rddreg [dreg:$0x13]  }
0x1d9: {  	[tilespmem:s22], [sflag:$0x7] =	stream.linear.gather [spmem:s10], $0x2D00, $0x38;
	[tilespmem:$0x1E140] =	vst v63  }
0x1da: {  	_ =	swait.ge [sflag:s6], $0x2D00  }
0x1db: {  	[sflag:s6] =	ssyncset.done $0x0  }
0x1dc: {  	s9 =	rddreg [dreg:$0x8];
	[sflag:s6] =	ssyncadd.s32 $0xFFFFD300  }
0x1dd: {  	[hbm4b:s9+s3] =	stream.linear.scatter [tilespmem:s22], [sflag:$0x2], $0x2D00, $0x38;
	[tilespmem:$0x1E140] =	vst v63  }
0x1de: {  	_ =	swait.ge [sflag:s21], $0x2D00  }
0x1df: {  	[sflag:s21] =	ssyncset.done $0x0  }
0x1e0: {  	[sflag:s21] =	ssyncadd.s32 $0xFFFFD300  }
0x1e1: {  	_ =	swait.ge [sflag:s23], $0x2D00  }
0x1e2: {  	[sflag:s23] =	ssyncset.done $0x0  }
0x1e3: {  	s10 =	rddreg [dreg:$0x14];
	[sflag:s23] =	ssyncadd.s32 $0xFFFFD300  }
0x1e4: {  	[tilespmem:s14], [sflag:$0x7] =	stream.linear.gather [spmem:s10], $0x2D00, $0x38;
	[tilespmem:$0x1E140] =	vst v63  }
0x1e5: {  	_ =	swait.ge [sflag:s6], $0x2D00  }
0x1e6: {  	[sflag:s6] =	ssyncset.done $0x0  }
0x1e7: {  	s9 =	rddreg [dreg:$0x9];
	[sflag:s6] =	ssyncadd.s32 $0xFFFFD300  }
0x1e8: {  	[hbm4b:s9+s3] =	stream.linear.scatter [tilespmem:s14], [sflag:$0x1], $0x2D00, $0x38;
	[tilespmem:$0x1E140] =	vst v63  }
0x1e9: {  	s10 =	rddreg [dreg:$0x15]  }
0x1ea: {  	[tilespmem:s22], [sflag:$0x7] =	stream.linear.gather [spmem:s10], $0x2D00, $0x38;
	[tilespmem:$0x1E140] =	vst v63  }
0x1eb: {  	_ =	swait.ge [sflag:s6], $0x2D00  }
0x1ec: {  	[sflag:s6] =	ssyncset.done $0x0  }
0x1ed: {  	s9 =	rddreg [dreg:$0xa];
	[sflag:s6] =	ssyncadd.s32 $0xFFFFD300  }
0x1ee: {  	[hbm4b:s9+s3] =	stream.linear.scatter [tilespmem:s22], [sflag:$0x2], $0x2D00, $0x38;
	[tilespmem:$0x1E140] =	vst v63  }
0x1ef: {  	_ =	swait.ge [sflag:s21], $0x2D00  }
0x1f0: {  	[sflag:s21] =	ssyncset.done $0x0  }
0x1f1: {  	[sflag:s21] =	ssyncadd.s32 $0xFFFFD300  }
0x1f2: {  	_ =	swait.ge [sflag:s23], $0x2D00  }
0x1f3: {  	[sflag:s23] =	ssyncset.done $0x0  }
0x1f4: {  	s10 =	rddreg [dreg:$0x16];
	[sflag:s23] =	ssyncadd.s32 $0xFFFFD300  }
0x1f5: {  	[tilespmem:s14], [sflag:$0x7] =	stream.linear.gather [spmem:s10], $0x2D00, $0x38;
	[tilespmem:$0x1E140] =	vst v63  }
0x1f6: {  	_ =	swait.ge [sflag:s6], $0x2D00  }
0x1f7: {  	[sflag:s6] =	ssyncset.done $0x0  }
0x1f8: {  	s9 =	rddreg [dreg:$0xb];
	[sflag:s6] =	ssyncadd.s32 $0xFFFFD300  }
0x1f9: {  	[hbm4b:s9+s3] =	stream.linear.scatter [tilespmem:s14], [sflag:$0x1], $0x2D00, $0x38;
	[tilespmem:$0x1E140] =	vst v63  }
0x1fa: {  	s10 =	rddreg [dreg:$0x17]  }
0x1fb: {  	[tilespmem:s22], [sflag:$0x7] =	stream.linear.gather [spmem:s10], $0x2D00, $0x38;
	[tilespmem:$0x1E140] =	vst v63  }
0x1fc: {  	_ =	swait.ge [sflag:s6], $0x2D00  }
0x1fd: {  	[sflag:s6] =	ssyncset.done $0x0  }
0x1fe: {  	s9 =	rddreg [dreg:$0xc];
	[sflag:s6] =	ssyncadd.s32 $0xFFFFD300  }
0x1ff: {  	[hbm4b:s9+s3] =	stream.linear.scatter [tilespmem:s22], [sflag:$0x2], $0x2D00, $0x38;
	[tilespmem:$0x1E140] =	vst v63  }
0x200: {  	_ =	swait.ge [sflag:s21], $0x2D00  }
0x201: {  	[sflag:s21] =	ssyncset.done $0x0  }
0x202: {  	[sflag:s21] =	ssyncadd.s32 $0xFFFFD300  }
0x203: {  	_ =	swait.ge [sflag:s23], $0x2D00  }
0x204: {  	s7 =	sadd.s32 $0x1, s7;
	s10 =	rddreg [dreg:$0xd]  }
0x205: {  	p0 =	sne.s32 s7, s10  }
.Ltmp6:
0x206: {  	_ = 	snop;
	(pc) =	sbr.rel @p0 .LBB2_1-.Ltmp6, $3  }
0x207: {  	_ =	sdelay $0x1  }
0x208: {  	[sflag:s23] =	ssyncset.done $0x0  }
0x209: {  	[sflag:s23] =	ssyncadd.s32 $0xFFFFD300  }
0x20a: {  	_ =	sfence.sel $0x180000  }
0x20b: {  	[bflag:$0x0] =	sbarrier.arrive $0xFFFF  }
0x20c: {  	_ =	strace $0x90000047  }
0x20d: {  	s0 =	stileid.u32;
	[bflag:$0x2] =	sbarrier.arrive $0xFFFF  }
0x20e: {  	p0 =	sne.s32 s0, $0x0;
	s0 =	rddreg [dreg:$0x3]  }
0x20f: {  	s0 =	sadd.s32 @!p0 $0x100000, s0  }
0x210: {  	[sflag:s0] =	ssyncadd.tile.s32 @!p0 $0x1;
	_ =	shalt  }
.Lfunc_end2:
_tile_overlayer_lowered:
.L_overlay_start_2:
0x211: {  	(tag) =	ssettag $0x2  }
0x212: {  	s0 =	rddreg [dreg:$0x0];
	s2 =	stileid.u32  }
0x213: {  	s1 =	rddreg [dreg:$0x1];
	p0 =	sne.s32 s2, $0x0  }
0x214: {  	s3 =	rddreg [dreg:$0x2];
	[bflag:$0x3] =	sbarrier.arrive $0xFFFF;
	s2 =	simm.s32 @!p0 $0x1C07  }
0x215: {  	[timem:s3], [sflag:s2] =	dma.local @!p0 [hbm:s0], s1  }
0x216: {  	s0 =	simm.s32 @!p0 $0x7  }
0x217: {  	_ =	swait.ge @!p0 [sflag:s0], s1  }
0x218: {  	s1 =	ssub.s32 @!p0 $0x0, s1;
	[sflag:s0] =	ssyncset.done @!p0 $0x0  }
0x219: {  	[sflag:s0] =	ssyncadd.s32 @!p0 s1  }
0x21a: {  	[bflag:$0x3] =	sbarrier.arrive $0xFFFF  }
0x21b: {  	_ =	shalt  }

</sc_bundles>
